<compile_context>
chip_gen: v7x
topology: tpu7x:2x2x1
jax: 0.10.2.dev20260603
libtpu: 0.0.44.dev20260713+nightly
codegen_flags: <defaults>
</compile_context>

<pallas_src>
import functools

import jax
import jax.numpy as jnp
from jax import lax
from jax.experimental import pallas as pl
from jax.experimental.pallas import tpu as pltpu
from jax.experimental.pallas import tpu_sc as plsc


def _sc_gather(user_table, item_table, user_idx, item_idx):
    info = plsc.get_sparse_core_info()
    NW = info.num_cores * info.num_subcores
    B = user_idx.shape[0]
    D = user_table.shape[1]
    b_per_w = B // NW
    CH = min(128, b_per_w)
    nch = b_per_w // CH
    mesh = plsc.VectorSubcoreMesh(core_axis_name="c", subcore_axis_name="s")

    @functools.partial(
        pl.kernel,
        mesh=mesh,
        out_type=[
            jax.ShapeDtypeStruct((B, D), jnp.float32),
            jax.ShapeDtypeStruct((B, D), jnp.float32),
        ],
        scratch_types=[
            pltpu.VMEM((b_per_w,), jnp.int32),
            pltpu.VMEM((b_per_w,), jnp.int32),
            pltpu.VMEM((2, CH, D), jnp.float32),
            pltpu.VMEM((2, CH, D), jnp.float32),
            [pltpu.SemaphoreType.DMA] * 2,
            [pltpu.SemaphoreType.DMA] * 2,
            [pltpu.SemaphoreType.DMA] * 2,
            [pltpu.SemaphoreType.DMA] * 2,
        ],
    )
    def k(ut_hbm, it_hbm, ui_hbm, ii_hbm, ue_hbm, ie_hbm,
          ui_v, ii_v, ubuf, ibuf, ugsem, igsem, uwsem, iwsem):
        wid = lax.axis_index("s") * info.num_cores + lax.axis_index("c")
        base = wid * b_per_w
        pltpu.sync_copy(ui_hbm.at[pl.ds(base, b_per_w)], ui_v)
        pltpu.sync_copy(ii_hbm.at[pl.ds(base, b_per_w)], ii_v)

        def gather(c, s):
            off = c * CH
            ug = pltpu.async_copy(
                ut_hbm.at[ui_v.at[pl.ds(off, CH)]], ubuf.at[s], ugsem[s])
            ig = pltpu.async_copy(
                it_hbm.at[ii_v.at[pl.ds(off, CH)]], ibuf.at[s], igsem[s])
            return ug, ig

        def writeback(c, s):
            off = c * CH
            uw = pltpu.async_copy(
                ubuf.at[s], ue_hbm.at[pl.ds(base + off, CH)], uwsem[s])
            iw = pltpu.async_copy(
                ibuf.at[s], ie_hbm.at[pl.ds(base + off, CH)], iwsem[s])
            return uw, iw

        g = gather(0, 0)
        w_prev = None
        for c in range(nch):
            s = c % 2
            if c + 1 < nch:
                if w_prev is not None:
                    w_prev[0].wait()
                    w_prev[1].wait()
                g_next = gather(c + 1, (c + 1) % 2)
            g[0].wait()
            g[1].wait()
            w = writeback(c, s)
            if c + 1 < nch:
                g = g_next
            w_prev = w
        w_prev[0].wait()
        w_prev[1].wait()

    return k(user_table, item_table, user_idx, item_idx)


def _mlp_body(ue_ref, ie_ref, w1u_ref, w1v_ref, b1_ref, w2_ref, b2_ref,
              w3t_ref, b3_ref, out_ref):
    ue = ue_ref[...].astype(jnp.bfloat16)
    ie = ie_ref[...].astype(jnp.bfloat16)
    h = jnp.dot(ue, w1u_ref[...].astype(jnp.bfloat16),
                preferred_element_type=jnp.float32)
    h = h + jnp.dot(ie, w1v_ref[...].astype(jnp.bfloat16),
                    preferred_element_type=jnp.float32)
    h = jnp.maximum(h + b1_ref[...], 0.0)
    h = jnp.dot(h, w2_ref[...], preferred_element_type=jnp.float32)
    h = jnp.maximum(h + b2_ref[...], 0.0)
    ht = jnp.transpose(h)
    o = jnp.dot(w3t_ref[...], ht, preferred_element_type=jnp.float32) + b3_ref[...]
    out_ref[...] = jax.nn.sigmoid(o[0, :]) * 4.0 + 1.0


def _tc_mlp(ue, ie, W1u, W1v, b1, W2, b2, W3, b3, tb=4096):
    B, D = ue.shape
    H1 = W1u.shape[1]
    H2 = W2.shape[1]
    HP = 128
    W2p = jnp.pad(W2, ((0, 0), (0, HP - H2)))
    b2p = jnp.pad(b2, (0, HP - H2)).reshape(1, HP)
    W3t = jnp.pad(W3.T, ((0, 0), (0, HP - H2)))
    return pl.pallas_call(
        _mlp_body,
        grid=(B // tb,),
        in_specs=[
            pl.BlockSpec((tb, D), lambda i: (i, 0)),
            pl.BlockSpec((tb, D), lambda i: (i, 0)),
            pl.BlockSpec((D, H1), lambda i: (0, 0)),
            pl.BlockSpec((D, H1), lambda i: (0, 0)),
            pl.BlockSpec((1, H1), lambda i: (0, 0)),
            pl.BlockSpec((H1, HP), lambda i: (0, 0)),
            pl.BlockSpec((1, HP), lambda i: (0, 0)),
            pl.BlockSpec((1, HP), lambda i: (0, 0)),
            pl.BlockSpec((1, 1), lambda i: (0, 0)),
        ],
        out_specs=pl.BlockSpec((tb,), lambda i: (i,)),
        out_shape=jax.ShapeDtypeStruct((B,), jnp.float32),
    )(ue, ie, W1u, W1v, b1.reshape(1, H1), W2p, b2p, W3t,
      b3.reshape(1, 1))


def kernel(x, user_table, item_table, W1, b1, W2, b2, W3, b3):
    D = user_table.shape[1]
    user_idx = x[:, 0].astype(jnp.int32)
    item_idx = x[:, 1].astype(jnp.int32)
    ue, ie = _sc_gather(user_table, item_table, user_idx, item_idx)
    out = _tc_mlp(ue, ie, W1[:D], W1[D:], b1, W2, b2, W3, b3)
    return out.reshape(-1, 1)

# --- scband reference (transcript-rebuilt; emitter-appended) ---
"""Pipeline reference for scband-net-20229295964889 (READ-ONLY COPY).

The authoritative reference and input builder live on the scoring server;
editing this copy changes nothing except your own understanding.
"""

import jax, jax.numpy as jnp
import numpy as np

NUM_USERS = 100000
NUM_ITEMS = 100000
EMBED_DIM = 128
BATCH = 16384


def setup_inputs(seed: int = 0) -> dict:
    key = jax.random.key(seed)
    ks = jax.random.split(key, 10)
    x = jax.random.randint(ks[0], (BATCH, 2), 0, NUM_USERS, dtype=jnp.int64) if jax.config.jax_enable_x64 else jax.random.randint(ks[0], (BATCH, 2), 0, NUM_USERS).astype(jnp.int32)
    user_table = jax.random.normal(ks[1], (NUM_USERS, EMBED_DIM), dtype=jnp.float32) * 0.02
    item_table = jax.random.normal(ks[2], (NUM_ITEMS, EMBED_DIM), dtype=jnp.float32) * 0.02
    W1 = jax.random.normal(ks[3], (2 * EMBED_DIM, 64), dtype=jnp.float32) * (1.0 / np.sqrt(2 * EMBED_DIM))
    b1 = jnp.zeros((64,), dtype=jnp.float32)
    W2 = jax.random.normal(ks[4], (64, 32), dtype=jnp.float32) * (1.0 / np.sqrt(64))
    b2 = jnp.zeros((32,), dtype=jnp.float32)
    W3 = jax.random.normal(ks[5], (32, 1), dtype=jnp.float32) * (1.0 / np.sqrt(32))
    b3 = jnp.zeros((1,), dtype=jnp.float32)
    return {"x": x, "user_table": user_table, "item_table": item_table,
            "W1": W1, "b1": b1, "W2": W2, "b2": b2, "W3": W3, "b3": b3}


def reference(x, user_table, item_table, W1, b1, W2, b2, W3, b3):
    user_idx = x[:, 0]
    item_idx = x[:, 1]
    user_embed = jnp.take(user_table, user_idx, axis=0)
    item_embed = jnp.take(item_table, item_idx, axis=0)
    h = jnp.concatenate((user_embed, item_embed), axis=1)
    h = jax.nn.relu(h @ W1 + b1)
    h = jax.nn.relu(h @ W2 + b2)
    out = jax.nn.sigmoid(h @ W3 + b3) * 4.0 + 1.0
    return out

if __name__ == "__main__":
    import jax
    _d = setup_inputs()
    print(jax.jit(kernel)(*tuple(_d.values())))

</pallas_src>

<mosaic_0001>
#map = affine_map<(d0, d1) -> (0, 0)>
#map1 = affine_map<(d0, d1) -> (0)>
module attributes {stable_mosaic.version = 14 : i64} {
  func.func @k(%arg0: i32, %arg1: i32, %arg2: memref<100000x128xf32, #tpu.memory_space<hbm>>, %arg3: memref<100000x128xf32, #tpu.memory_space<hbm>>, %arg4: memref<16384xi32, #tpu.memory_space<hbm>>, %arg5: memref<16384xi32, #tpu.memory_space<hbm>>, %arg6: memref<16384x128xf32, #tpu.memory_space<hbm>>, %arg7: memref<16384x128xf32, #tpu.memory_space<hbm>>, %arg8: memref<512xi32, #tpu.memory_space<vmem>>, %arg9: memref<512xi32, #tpu.memory_space<vmem>>, %arg10: memref<2x128x128xf32, #tpu.memory_space<vmem>>, %arg11: memref<2x128x128xf32, #tpu.memory_space<vmem>>, %arg12: memref<!tpu.dma_semaphore, #tpu.memory_space<semaphore_mem>>, %arg13: memref<!tpu.dma_semaphore, #tpu.memory_space<semaphore_mem>>, %arg14: memref<!tpu.dma_semaphore, #tpu.memory_space<semaphore_mem>>, %arg15: memref<!tpu.dma_semaphore, #tpu.memory_space<semaphore_mem>>, %arg16: memref<!tpu.dma_semaphore, #tpu.memory_space<semaphore_mem>>, %arg17: memref<!tpu.dma_semaphore, #tpu.memory_space<semaphore_mem>>, %arg18: memref<!tpu.dma_semaphore, #tpu.memory_space<semaphore_mem>>, %arg19: memref<!tpu.dma_semaphore, #tpu.memory_space<semaphore_mem>>) attributes {dimension_semantics = [#tpu.dimension_semantics<core_parallel>, #tpu.dimension_semantics<subcore_parallel>], iteration_bounds = array<i64: 2, 16>, scalar_prefetch = 0 : i64, scratch_operands = 12 : i64, tpu.core_type = #tpu.core_type<sc_vector_subcore>, window_params = [{transform_indices = #map}, {transform_indices = #map}, {transform_indices = #map1}, {transform_indices = #map1}, {transform_indices = #map}, {transform_indices = #map}]} {
    %mul3A = arith.constant 2 : i32
    %mul3A_0 = arith.muli %arg1, %mul3A : i32
    %add3A = arith.addi %mul3A_0, %arg0 : i32
    %mul3A_1 = arith.constant 512 : i32
    %mul3A_2 = arith.muli %add3A, %mul3A_1 : i32
    "tpu.region"() ({
      %run_scoped3A = tpu.sem_alloc : memref<!tpu.dma_semaphore, #tpu.memory_space<semaphore_mem>>
      %dma_start3A_359 = tpu.memref_slice %arg4[%mul3A_2] : memref<16384xi32, #tpu.memory_space<hbm>> -> memref<512xi32, #tpu.memory_space<hbm>>
      %dma_start3A_360 = tpu.memref_slice %arg4[%mul3A_2] : memref<16384xi32, #tpu.memory_space<hbm>> -> memref<512xi32, #tpu.memory_space<hbm>>
      tpu.enqueue_dma source(%dma_start3A_360 : memref<512xi32, #tpu.memory_space<hbm>>) target(%arg8 : memref<512xi32, #tpu.memory_space<vmem>>) target_semaphore(%run_scoped3A : memref<!tpu.dma_semaphore, #tpu.memory_space<semaphore_mem>>)
      %dma_wait3A_361 = tpu.memref_slice %arg4[%mul3A_2] : memref<16384xi32, #tpu.memory_space<hbm>> -> memref<512xi32, #tpu.memory_space<hbm>>
      %dma_wait3A_362 = tpu.memref_slice %arg4[%mul3A_2] : memref<16384xi32, #tpu.memory_space<hbm>> -> memref<512xi32, #tpu.memory_space<hbm>>
      tpu.wait_dma2 semaphore(%run_scoped3A : memref<!tpu.dma_semaphore, #tpu.memory_space<semaphore_mem>>) src(%dma_wait3A_362 : memref<512xi32, #tpu.memory_space<hbm>>) dst(%arg8 : memref<512xi32, #tpu.memory_space<vmem>>)
      tpu.yield
    }) : () -> ()
    "tpu.region"() ({
      %run_scoped3A = tpu.sem_alloc : memref<!tpu.dma_semaphore, #tpu.memory_space<semaphore_mem>>
      %dma_start3A_359 = tpu.memref_slice %arg5[%mul3A_2] : memref<16384xi32, #tpu.memory_space<hbm>> -> memref<512xi32, #tpu.memory_space<hbm>>
      %dma_start3A_360 = tpu.memref_slice %arg5[%mul3A_2] : memref<16384xi32, #tpu.memory_space<hbm>> -> memref<512xi32, #tpu.memory_space<hbm>>
      tpu.enqueue_dma source(%dma_start3A_360 : memref<512xi32, #tpu.memory_space<hbm>>) target(%arg9 : memref<512xi32, #tpu.memory_space<vmem>>) target_semaphore(%run_scoped3A : memref<!tpu.dma_semaphore, #tpu.memory_space<semaphore_mem>>)
      %dma_wait3A_361 = tpu.memref_slice %arg5[%mul3A_2] : memref<16384xi32, #tpu.memory_space<hbm>> -> memref<512xi32, #tpu.memory_space<hbm>>
      %dma_wait3A_362 = tpu.memref_slice %arg5[%mul3A_2] : memref<16384xi32, #tpu.memory_space<hbm>> -> memref<512xi32, #tpu.memory_space<hbm>>
      tpu.wait_dma2 semaphore(%run_scoped3A : memref<!tpu.dma_semaphore, #tpu.memory_space<semaphore_mem>>) src(%dma_wait3A_362 : memref<512xi32, #tpu.memory_space<hbm>>) dst(%arg9 : memref<512xi32, #tpu.memory_space<vmem>>)
      tpu.yield
    }) : () -> ()
    %dma_start3A = arith.constant 0 : i32
    %dma_start3A_3 = arith.constant 0 : i32
    %dma_start3A_4 = arith.constant 0 : i32
    %dma_start3A_5 = tpu.memref_slice %arg10[%dma_start3A, %dma_start3A_3, %dma_start3A_4] : memref<2x128x128xf32, #tpu.memory_space<vmem>> -> memref<1x128x128xf32, #tpu.memory_space<vmem>>
    %dma_start3A_6 = tpu.memref_squeeze %dma_start3A_5 : memref<1x128x128xf32, #tpu.memory_space<vmem>> -> memref<128x128xf32, #tpu.memory_space<vmem>>
    %dma_start3A_7 = arith.constant 0 : i32
    %dma_start3A_8 = tpu.memref_slice %arg8[%dma_start3A_7] : memref<512xi32, #tpu.memory_space<vmem>> -> memref<128xi32, #tpu.memory_space<vmem>>
    %dma_start3A_9 = arith.constant 0 : i32
    %dma_start3A_10 = arith.constant 0 : i32
    %dma_start3A_11 = tpu.memref_slice %arg2[%dma_start3A_9, %dma_start3A_10] : memref<100000x128xf32, #tpu.memory_space<hbm>> -> memref<100000x128xf32, #tpu.memory_space<hbm>>
    tpu.enqueue_indirect_dma source(%dma_start3A_11 : memref<100000x128xf32, #tpu.memory_space<hbm>>) target(%dma_start3A_6 : memref<128x128xf32, #tpu.memory_space<vmem>>) offsets(%dma_start3A_8 : memref<128xi32, #tpu.memory_space<vmem>>) semaphore(%arg12 : memref<!tpu.dma_semaphore, #tpu.memory_space<semaphore_mem>>)
    %dma_start3A_12 = arith.constant 0 : i32
    %dma_start3A_13 = arith.constant 0 : i32
    %dma_start3A_14 = arith.constant 0 : i32
    %dma_start3A_15 = tpu.memref_slice %arg11[%dma_start3A_12, %dma_start3A_13, %dma_start3A_14] : memref<2x128x128xf32, #tpu.memory_space<vmem>> -> memref<1x128x128xf32, #tpu.memory_space<vmem>>
    %dma_start3A_16 = tpu.memref_squeeze %dma_start3A_15 : memref<1x128x128xf32, #tpu.memory_space<vmem>> -> memref<128x128xf32, #tpu.memory_space<vmem>>
    %dma_start3A_17 = arith.constant 0 : i32
    %dma_start3A_18 = tpu.memref_slice %arg9[%dma_start3A_17] : memref<512xi32, #tpu.memory_space<vmem>> -> memref<128xi32, #tpu.memory_space<vmem>>
    %dma_start3A_19 = arith.constant 0 : i32
    %dma_start3A_20 = arith.constant 0 : i32
    %dma_start3A_21 = tpu.memref_slice %arg3[%dma_start3A_19, %dma_start3A_20] : memref<100000x128xf32, #tpu.memory_space<hbm>> -> memref<100000x128xf32, #tpu.memory_space<hbm>>
    tpu.enqueue_indirect_dma source(%dma_start3A_21 : memref<100000x128xf32, #tpu.memory_space<hbm>>) target(%dma_start3A_16 : memref<128x128xf32, #tpu.memory_space<vmem>>) offsets(%dma_start3A_18 : memref<128xi32, #tpu.memory_space<vmem>>) semaphore(%arg14 : memref<!tpu.dma_semaphore, #tpu.memory_space<semaphore_mem>>)
    %dma_start3A_22 = arith.constant 1 : i32
    %dma_start3A_23 = arith.constant 0 : i32
    %dma_start3A_24 = arith.constant 0 : i32
    %dma_start3A_25 = tpu.memref_slice %arg10[%dma_start3A_22, %dma_start3A_23, %dma_start3A_24] : memref<2x128x128xf32, #tpu.memory_space<vmem>> -> memref<1x128x128xf32, #tpu.memory_space<vmem>>
    %dma_start3A_26 = tpu.memref_squeeze %dma_start3A_25 : memref<1x128x128xf32, #tpu.memory_space<vmem>> -> memref<128x128xf32, #tpu.memory_space<vmem>>
    %dma_start3A_27 = arith.constant 128 : i32
    %dma_start3A_28 = tpu.memref_slice %arg8[%dma_start3A_27] : memref<512xi32, #tpu.memory_space<vmem>> -> memref<128xi32, #tpu.memory_space<vmem>>
    %dma_start3A_29 = arith.constant 0 : i32
    %dma_start3A_30 = arith.constant 0 : i32
    %dma_start3A_31 = tpu.memref_slice %arg2[%dma_start3A_29, %dma_start3A_30] : memref<100000x128xf32, #tpu.memory_space<hbm>> -> memref<100000x128xf32, #tpu.memory_space<hbm>>
    tpu.enqueue_indirect_dma source(%dma_start3A_31 : memref<100000x128xf32, #tpu.memory_space<hbm>>) target(%dma_start3A_26 : memref<128x128xf32, #tpu.memory_space<vmem>>) offsets(%dma_start3A_28 : memref<128xi32, #tpu.memory_space<vmem>>) semaphore(%arg13 : memref<!tpu.dma_semaphore, #tpu.memory_space<semaphore_mem>>)
    %dma_start3A_32 = arith.constant 1 : i32
    %dma_start3A_33 = arith.constant 0 : i32
    %dma_start3A_34 = arith.constant 0 : i32
    %dma_start3A_35 = tpu.memref_slice %arg11[%dma_start3A_32, %dma_start3A_33, %dma_start3A_34] : memref<2x128x128xf32, #tpu.memory_space<vmem>> -> memref<1x128x128xf32, #tpu.memory_space<vmem>>
    %dma_start3A_36 = tpu.memref_squeeze %dma_start3A_35 : memref<1x128x128xf32, #tpu.memory_space<vmem>> -> memref<128x128xf32, #tpu.memory_space<vmem>>
    %dma_start3A_37 = arith.constant 128 : i32
    %dma_start3A_38 = tpu.memref_slice %arg9[%dma_start3A_37] : memref<512xi32, #tpu.memory_space<vmem>> -> memref<128xi32, #tpu.memory_space<vmem>>
    %dma_start3A_39 = arith.constant 0 : i32
    %dma_start3A_40 = arith.constant 0 : i32
    %dma_start3A_41 = tpu.memref_slice %arg3[%dma_start3A_39, %dma_start3A_40] : memref<100000x128xf32, #tpu.memory_space<hbm>> -> memref<100000x128xf32, #tpu.memory_space<hbm>>
    tpu.enqueue_indirect_dma source(%dma_start3A_41 : memref<100000x128xf32, #tpu.memory_space<hbm>>) target(%dma_start3A_36 : memref<128x128xf32, #tpu.memory_space<vmem>>) offsets(%dma_start3A_38 : memref<128xi32, #tpu.memory_space<vmem>>) semaphore(%arg15 : memref<!tpu.dma_semaphore, #tpu.memory_space<semaphore_mem>>)
    %dma_wait3A = arith.constant 0 : i32
    %dma_wait3A_42 = arith.constant 0 : i32
    %dma_wait3A_43 = arith.constant 0 : i32
    %dma_wait3A_44 = tpu.memref_slice %arg10[%dma_wait3A, %dma_wait3A_42, %dma_wait3A_43] : memref<2x128x128xf32, #tpu.memory_space<vmem>> -> memref<1x128x128xf32, #tpu.memory_space<vmem>>
    %dma_wait3A_45 = tpu.memref_squeeze %dma_wait3A_44 : memref<1x128x128xf32, #tpu.memory_space<vmem>> -> memref<128x128xf32, #tpu.memory_space<vmem>>
    %dma_wait3A_46 = arith.constant 0 : i32
    %dma_wait3A_47 = tpu.memref_slice %arg8[%dma_wait3A_46] : memref<512xi32, #tpu.memory_space<vmem>> -> memref<128xi32, #tpu.memory_space<vmem>>
    %dma_wait3A_48 = arith.constant 0 : i32
    %dma_wait3A_49 = arith.constant 0 : i32
    %dma_wait3A_50 = tpu.memref_slice %arg2[%dma_wait3A_48, %dma_wait3A_49] : memref<100000x128xf32, #tpu.memory_space<hbm>> -> memref<100000x128xf32, #tpu.memory_space<hbm>>
    tpu.wait_indirect_dma semaphore(%arg12 : memref<!tpu.dma_semaphore, #tpu.memory_space<semaphore_mem>>) src(%dma_wait3A_50 : memref<100000x128xf32, #tpu.memory_space<hbm>>) dst(%dma_wait3A_45 : memref<128x128xf32, #tpu.memory_space<vmem>>)
    %dma_wait3A_51 = arith.constant 0 : i32
    %dma_wait3A_52 = arith.constant 0 : i32
    %dma_wait3A_53 = arith.constant 0 : i32
    %dma_wait3A_54 = tpu.memref_slice %arg11[%dma_wait3A_51, %dma_wait3A_52, %dma_wait3A_53] : memref<2x128x128xf32, #tpu.memory_space<vmem>> -> memref<1x128x128xf32, #tpu.memory_space<vmem>>
    %dma_wait3A_55 = tpu.memref_squeeze %dma_wait3A_54 : memref<1x128x128xf32, #tpu.memory_space<vmem>> -> memref<128x128xf32, #tpu.memory_space<vmem>>
    %dma_wait3A_56 = arith.constant 0 : i32
    %dma_wait3A_57 = tpu.memref_slice %arg9[%dma_wait3A_56] : memref<512xi32, #tpu.memory_space<vmem>> -> memref<128xi32, #tpu.memory_space<vmem>>
    %dma_wait3A_58 = arith.constant 0 : i32
    %dma_wait3A_59 = arith.constant 0 : i32
    %dma_wait3A_60 = tpu.memref_slice %arg3[%dma_wait3A_58, %dma_wait3A_59] : memref<100000x128xf32, #tpu.memory_space<hbm>> -> memref<100000x128xf32, #tpu.memory_space<hbm>>
    tpu.wait_indirect_dma semaphore(%arg14 : memref<!tpu.dma_semaphore, #tpu.memory_space<semaphore_mem>>) src(%dma_wait3A_60 : memref<100000x128xf32, #tpu.memory_space<hbm>>) dst(%dma_wait3A_55 : memref<128x128xf32, #tpu.memory_space<vmem>>)
    %add3A_61 = arith.constant 0 : i32
    %add3A_62 = arith.addi %mul3A_2, %add3A_61 : i32
    %dma_start3A_63 = arith.constant 0 : i32
    %dma_start3A_64 = arith.constant 0 : i32
    %dma_start3A_65 = arith.constant 0 : i32
    %dma_start3A_66 = tpu.memref_slice %arg10[%dma_start3A_63, %dma_start3A_64, %dma_start3A_65] : memref<2x128x128xf32, #tpu.memory_space<vmem>> -> memref<1x128x128xf32, #tpu.memory_space<vmem>>
    %dma_start3A_67 = tpu.memref_squeeze %dma_start3A_66 : memref<1x128x128xf32, #tpu.memory_space<vmem>> -> memref<128x128xf32, #tpu.memory_space<vmem>>
    %dma_start3A_68 = arith.constant 0 : i32
    %dma_start3A_69 = tpu.memref_slice %arg6[%add3A_62, %dma_start3A_68] : memref<16384x128xf32, #tpu.memory_space<hbm>> -> memref<128x128xf32, #tpu.memory_space<hbm>>
    %dma_start3A_70 = arith.constant 0 : i32
    %dma_start3A_71 = tpu.memref_slice %arg6[%add3A_62, %dma_start3A_70] : memref<16384x128xf32, #tpu.memory_space<hbm>> -> memref<128x128xf32, #tpu.memory_space<hbm>>
    %dma_start3A_72 = arith.constant 0 : i32
    %dma_start3A_73 = arith.constant 0 : i32
    %dma_start3A_74 = tpu.memref_slice %arg10[%dma_start3A_63, %dma_start3A_72, %dma_start3A_73] : memref<2x128x128xf32, #tpu.memory_space<vmem>> -> memref<1x128x128xf32, #tpu.memory_space<vmem>>
    %dma_start3A_75 = tpu.memref_squeeze %dma_start3A_74 : memref<1x128x128xf32, #tpu.memory_space<vmem>> -> memref<128x128xf32, #tpu.memory_space<vmem>>
    tpu.enqueue_dma source(%dma_start3A_75 : memref<128x128xf32, #tpu.memory_space<vmem>>) target(%dma_start3A_71 : memref<128x128xf32, #tpu.memory_space<hbm>>) target_semaphore(%arg16 : memref<!tpu.dma_semaphore, #tpu.memory_space<semaphore_mem>>)
    %add3A_76 = arith.constant 0 : i32
    %add3A_77 = arith.addi %mul3A_2, %add3A_76 : i32
    %dma_start3A_78 = arith.constant 0 : i32
    %dma_start3A_79 = arith.constant 0 : i32
    %dma_start3A_80 = arith.constant 0 : i32
    %dma_start3A_81 = tpu.memref_slice %arg11[%dma_start3A_78, %dma_start3A_79, %dma_start3A_80] : memref<2x128x128xf32, #tpu.memory_space<vmem>> -> memref<1x128x128xf32, #tpu.memory_space<vmem>>
    %dma_start3A_82 = tpu.memref_squeeze %dma_start3A_81 : memref<1x128x128xf32, #tpu.memory_space<vmem>> -> memref<128x128xf32, #tpu.memory_space<vmem>>
    %dma_start3A_83 = arith.constant 0 : i32
    %dma_start3A_84 = tpu.memref_slice %arg7[%add3A_77, %dma_start3A_83] : memref<16384x128xf32, #tpu.memory_space<hbm>> -> memref<128x128xf32, #tpu.memory_space<hbm>>
    %dma_start3A_85 = arith.constant 0 : i32
    %dma_start3A_86 = tpu.memref_slice %arg7[%add3A_77, %dma_start3A_85] : memref<16384x128xf32, #tpu.memory_space<hbm>> -> memref<128x128xf32, #tpu.memory_space<hbm>>
    %dma_start3A_87 = arith.constant 0 : i32
    %dma_start3A_88 = arith.constant 0 : i32
    %dma_start3A_89 = tpu.memref_slice %arg11[%dma_start3A_78, %dma_start3A_87, %dma_start3A_88] : memref<2x128x128xf32, #tpu.memory_space<vmem>> -> memref<1x128x128xf32, #tpu.memory_space<vmem>>
    %dma_start3A_90 = tpu.memref_squeeze %dma_start3A_89 : memref<1x128x128xf32, #tpu.memory_space<vmem>> -> memref<128x128xf32, #tpu.memory_space<vmem>>
    tpu.enqueue_dma source(%dma_start3A_90 : memref<128x128xf32, #tpu.memory_space<vmem>>) target(%dma_start3A_86 : memref<128x128xf32, #tpu.memory_space<hbm>>) target_semaphore(%arg18 : memref<!tpu.dma_semaphore, #tpu.memory_space<semaphore_mem>>)
    %dma_wait3A_91 = arith.constant 0 : i32
    %dma_wait3A_92 = arith.constant 0 : i32
    %dma_wait3A_93 = arith.constant 0 : i32
    %dma_wait3A_94 = tpu.memref_slice %arg10[%dma_wait3A_91, %dma_wait3A_92, %dma_wait3A_93] : memref<2x128x128xf32, #tpu.memory_space<vmem>> -> memref<1x128x128xf32, #tpu.memory_space<vmem>>
    %dma_wait3A_95 = tpu.memref_squeeze %dma_wait3A_94 : memref<1x128x128xf32, #tpu.memory_space<vmem>> -> memref<128x128xf32, #tpu.memory_space<vmem>>
    %dma_wait3A_96 = arith.constant 0 : i32
    %dma_wait3A_97 = tpu.memref_slice %arg6[%add3A_62, %dma_wait3A_96] : memref<16384x128xf32, #tpu.memory_space<hbm>> -> memref<128x128xf32, #tpu.memory_space<hbm>>
    %dma_wait3A_98 = arith.constant 0 : i32
    %dma_wait3A_99 = tpu.memref_slice %arg6[%add3A_62, %dma_wait3A_98] : memref<16384x128xf32, #tpu.memory_space<hbm>> -> memref<128x128xf32, #tpu.memory_space<hbm>>
    %dma_wait3A_100 = arith.constant 0 : i32
    %dma_wait3A_101 = arith.constant 0 : i32
    %dma_wait3A_102 = tpu.memref_slice %arg10[%dma_wait3A_91, %dma_wait3A_100, %dma_wait3A_101] : memref<2x128x128xf32, #tpu.memory_space<vmem>> -> memref<1x128x128xf32, #tpu.memory_space<vmem>>
    %dma_wait3A_103 = tpu.memref_squeeze %dma_wait3A_102 : memref<1x128x128xf32, #tpu.memory_space<vmem>> -> memref<128x128xf32, #tpu.memory_space<vmem>>
    tpu.wait_dma2 semaphore(%arg16 : memref<!tpu.dma_semaphore, #tpu.memory_space<semaphore_mem>>) src(%dma_wait3A_103 : memref<128x128xf32, #tpu.memory_space<vmem>>) dst(%dma_wait3A_99 : memref<128x128xf32, #tpu.memory_space<hbm>>)
    %dma_wait3A_104 = arith.constant 0 : i32
    %dma_wait3A_105 = arith.constant 0 : i32
    %dma_wait3A_106 = arith.constant 0 : i32
    %dma_wait3A_107 = tpu.memref_slice %arg11[%dma_wait3A_104, %dma_wait3A_105, %dma_wait3A_106] : memref<2x128x128xf32, #tpu.memory_space<vmem>> -> memref<1x128x128xf32, #tpu.memory_space<vmem>>
    %dma_wait3A_108 = tpu.memref_squeeze %dma_wait3A_107 : memref<1x128x128xf32, #tpu.memory_space<vmem>> -> memref<128x128xf32, #tpu.memory_space<vmem>>
    %dma_wait3A_109 = arith.constant 0 : i32
    %dma_wait3A_110 = tpu.memref_slice %arg7[%add3A_77, %dma_wait3A_109] : memref<16384x128xf32, #tpu.memory_space<hbm>> -> memref<128x128xf32, #tpu.memory_space<hbm>>
    %dma_wait3A_111 = arith.constant 0 : i32
    %dma_wait3A_112 = tpu.memref_slice %arg7[%add3A_77, %dma_wait3A_111] : memref<16384x128xf32, #tpu.memory_space<hbm>> -> memref<128x128xf32, #tpu.memory_space<hbm>>
    %dma_wait3A_113 = arith.constant 0 : i32
    %dma_wait3A_114 = arith.constant 0 : i32
    %dma_wait3A_115 = tpu.memref_slice %arg11[%dma_wait3A_104, %dma_wait3A_113, %dma_wait3A_114] : memref<2x128x128xf32, #tpu.memory_space<vmem>> -> memref<1x128x128xf32, #tpu.memory_space<vmem>>
    %dma_wait3A_116 = tpu.memref_squeeze %dma_wait3A_115 : memref<1x128x128xf32, #tpu.memory_space<vmem>> -> memref<128x128xf32, #tpu.memory_space<vmem>>
    tpu.wait_dma2 semaphore(%arg18 : memref<!tpu.dma_semaphore, #tpu.memory_space<semaphore_mem>>) src(%dma_wait3A_116 : memref<128x128xf32, #tpu.memory_space<vmem>>) dst(%dma_wait3A_112 : memref<128x128xf32, #tpu.memory_space<hbm>>)
    %dma_start3A_117 = arith.constant 0 : i32
    %dma_start3A_118 = arith.constant 0 : i32
    %dma_start3A_119 = arith.constant 0 : i32
    %dma_start3A_120 = tpu.memref_slice %arg10[%dma_start3A_117, %dma_start3A_118, %dma_start3A_119] : memref<2x128x128xf32, #tpu.memory_space<vmem>> -> memref<1x128x128xf32, #tpu.memory_space<vmem>>
    %dma_start3A_121 = tpu.memref_squeeze %dma_start3A_120 : memref<1x128x128xf32, #tpu.memory_space<vmem>> -> memref<128x128xf32, #tpu.memory_space<vmem>>
    %dma_start3A_122 = arith.constant 256 : i32
    %dma_start3A_123 = tpu.memref_slice %arg8[%dma_start3A_122] : memref<512xi32, #tpu.memory_space<vmem>> -> memref<128xi32, #tpu.memory_space<vmem>>
    %dma_start3A_124 = arith.constant 0 : i32
    %dma_start3A_125 = arith.constant 0 : i32
    %dma_start3A_126 = tpu.memref_slice %arg2[%dma_start3A_124, %dma_start3A_125] : memref<100000x128xf32, #tpu.memory_space<hbm>> -> memref<100000x128xf32, #tpu.memory_space<hbm>>
    tpu.enqueue_indirect_dma source(%dma_start3A_126 : memref<100000x128xf32, #tpu.memory_space<hbm>>) target(%dma_start3A_121 : memref<128x128xf32, #tpu.memory_space<vmem>>) offsets(%dma_start3A_123 : memref<128xi32, #tpu.memory_space<vmem>>) semaphore(%arg12 : memref<!tpu.dma_semaphore, #tpu.memory_space<semaphore_mem>>)
    %dma_start3A_127 = arith.constant 0 : i32
    %dma_start3A_128 = arith.constant 0 : i32
    %dma_start3A_129 = arith.constant 0 : i32
    %dma_start3A_130 = tpu.memref_slice %arg11[%dma_start3A_127, %dma_start3A_128, %dma_start3A_129] : memref<2x128x128xf32, #tpu.memory_space<vmem>> -> memref<1x128x128xf32, #tpu.memory_space<vmem>>
    %dma_start3A_131 = tpu.memref_squeeze %dma_start3A_130 : memref<1x128x128xf32, #tpu.memory_space<vmem>> -> memref<128x128xf32, #tpu.memory_space<vmem>>
    %dma_start3A_132 = arith.constant 256 : i32
    %dma_start3A_133 = tpu.memref_slice %arg9[%dma_start3A_132] : memref<512xi32, #tpu.memory_space<vmem>> -> memref<128xi32, #tpu.memory_space<vmem>>
    %dma_start3A_134 = arith.constant 0 : i32
    %dma_start3A_135 = arith.constant 0 : i32
    %dma_start3A_136 = tpu.memref_slice %arg3[%dma_start3A_134, %dma_start3A_135] : memref<100000x128xf32, #tpu.memory_space<hbm>> -> memref<100000x128xf32, #tpu.memory_space<hbm>>
    tpu.enqueue_indirect_dma source(%dma_start3A_136 : memref<100000x128xf32, #tpu.memory_space<hbm>>) target(%dma_start3A_131 : memref<128x128xf32, #tpu.memory_space<vmem>>) offsets(%dma_start3A_133 : memref<128xi32, #tpu.memory_space<vmem>>) semaphore(%arg14 : memref<!tpu.dma_semaphore, #tpu.memory_space<semaphore_mem>>)
    %dma_wait3A_137 = arith.constant 1 : i32
    %dma_wait3A_138 = arith.constant 0 : i32
    %dma_wait3A_139 = arith.constant 0 : i32
    %dma_wait3A_140 = tpu.memref_slice %arg10[%dma_wait3A_137, %dma_wait3A_138, %dma_wait3A_139] : memref<2x128x128xf32, #tpu.memory_space<vmem>> -> memref<1x128x128xf32, #tpu.memory_space<vmem>>
    %dma_wait3A_141 = tpu.memref_squeeze %dma_wait3A_140 : memref<1x128x128xf32, #tpu.memory_space<vmem>> -> memref<128x128xf32, #tpu.memory_space<vmem>>
    %dma_wait3A_142 = arith.constant 128 : i32
    %dma_wait3A_143 = tpu.memref_slice %arg8[%dma_wait3A_142] : memref<512xi32, #tpu.memory_space<vmem>> -> memref<128xi32, #tpu.memory_space<vmem>>
    %dma_wait3A_144 = arith.constant 0 : i32
    %dma_wait3A_145 = arith.constant 0 : i32
    %dma_wait3A_146 = tpu.memref_slice %arg2[%dma_wait3A_144, %dma_wait3A_145] : memref<100000x128xf32, #tpu.memory_space<hbm>> -> memref<100000x128xf32, #tpu.memory_space<hbm>>
    tpu.wait_indirect_dma semaphore(%arg13 : memref<!tpu.dma_semaphore, #tpu.memory_space<semaphore_mem>>) src(%dma_wait3A_146 : memref<100000x128xf32, #tpu.memory_space<hbm>>) dst(%dma_wait3A_141 : memref<128x128xf32, #tpu.memory_space<vmem>>)
    %dma_wait3A_147 = arith.constant 1 : i32
    %dma_wait3A_148 = arith.constant 0 : i32
    %dma_wait3A_149 = arith.constant 0 : i32
    %dma_wait3A_150 = tpu.memref_slice %arg11[%dma_wait3A_147, %dma_wait3A_148, %dma_wait3A_149] : memref<2x128x128xf32, #tpu.memory_space<vmem>> -> memref<1x128x128xf32, #tpu.memory_space<vmem>>
    %dma_wait3A_151 = tpu.memref_squeeze %dma_wait3A_150 : memref<1x128x128xf32, #tpu.memory_space<vmem>> -> memref<128x128xf32, #tpu.memory_space<vmem>>
    %dma_wait3A_152 = arith.constant 128 : i32
    %dma_wait3A_153 = tpu.memref_slice %arg9[%dma_wait3A_152] : memref<512xi32, #tpu.memory_space<vmem>> -> memref<128xi32, #tpu.memory_space<vmem>>
    %dma_wait3A_154 = arith.constant 0 : i32
    %dma_wait3A_155 = arith.constant 0 : i32
    %dma_wait3A_156 = tpu.memref_slice %arg3[%dma_wait3A_154, %dma_wait3A_155] : memref<100000x128xf32, #tpu.memory_space<hbm>> -> memref<100000x128xf32, #tpu.memory_space<hbm>>
    tpu.wait_indirect_dma semaphore(%arg15 : memref<!tpu.dma_semaphore, #tpu.memory_space<semaphore_mem>>) src(%dma_wait3A_156 : memref<100000x128xf32, #tpu.memory_space<hbm>>) dst(%dma_wait3A_151 : memref<128x128xf32, #tpu.memory_space<vmem>>)
    %add3A_157 = arith.constant 128 : i32
    %add3A_158 = arith.addi %mul3A_2, %add3A_157 : i32
    %dma_start3A_159 = arith.constant 1 : i32
    %dma_start3A_160 = arith.constant 0 : i32
    %dma_start3A_161 = arith.constant 0 : i32
    %dma_start3A_162 = tpu.memref_slice %arg10[%dma_start3A_159, %dma_start3A_160, %dma_start3A_161] : memref<2x128x128xf32, #tpu.memory_space<vmem>> -> memref<1x128x128xf32, #tpu.memory_space<vmem>>
    %dma_start3A_163 = tpu.memref_squeeze %dma_start3A_162 : memref<1x128x128xf32, #tpu.memory_space<vmem>> -> memref<128x128xf32, #tpu.memory_space<vmem>>
    %dma_start3A_164 = arith.constant 0 : i32
    %dma_start3A_165 = tpu.memref_slice %arg6[%add3A_158, %dma_start3A_164] : memref<16384x128xf32, #tpu.memory_space<hbm>> -> memref<128x128xf32, #tpu.memory_space<hbm>>
    %dma_start3A_166 = arith.constant 0 : i32
    %dma_start3A_167 = tpu.memref_slice %arg6[%add3A_158, %dma_start3A_166] : memref<16384x128xf32, #tpu.memory_space<hbm>> -> memref<128x128xf32, #tpu.memory_space<hbm>>
    %dma_start3A_168 = arith.constant 0 : i32
    %dma_start3A_169 = arith.constant 0 : i32
    %dma_start3A_170 = tpu.memref_slice %arg10[%dma_start3A_159, %dma_start3A_168, %dma_start3A_169] : memref<2x128x128xf32, #tpu.memory_space<vmem>> -> memref<1x128x128xf32, #tpu.memory_space<vmem>>
    %dma_start3A_171 = tpu.memref_squeeze %dma_start3A_170 : memref<1x128x128xf32, #tpu.memory_space<vmem>> -> memref<128x128xf32, #tpu.memory_space<vmem>>
    tpu.enqueue_dma source(%dma_start3A_171 : memref<128x128xf32, #tpu.memory_space<vmem>>) target(%dma_start3A_167 : memref<128x128xf32, #tpu.memory_space<hbm>>) target_semaphore(%arg17 : memref<!tpu.dma_semaphore, #tpu.memory_space<semaphore_mem>>)
    %add3A_172 = arith.constant 128 : i32
    %add3A_173 = arith.addi %mul3A_2, %add3A_172 : i32
    %dma_start3A_174 = arith.constant 1 : i32
    %dma_start3A_175 = arith.constant 0 : i32
    %dma_start3A_176 = arith.constant 0 : i32
    %dma_start3A_177 = tpu.memref_slice %arg11[%dma_start3A_174, %dma_start3A_175, %dma_start3A_176] : memref<2x128x128xf32, #tpu.memory_space<vmem>> -> memref<1x128x128xf32, #tpu.memory_space<vmem>>
    %dma_start3A_178 = tpu.memref_squeeze %dma_start3A_177 : memref<1x128x128xf32, #tpu.memory_space<vmem>> -> memref<128x128xf32, #tpu.memory_space<vmem>>
    %dma_start3A_179 = arith.constant 0 : i32
    %dma_start3A_180 = tpu.memref_slice %arg7[%add3A_173, %dma_start3A_179] : memref<16384x128xf32, #tpu.memory_space<hbm>> -> memref<128x128xf32, #tpu.memory_space<hbm>>
    %dma_start3A_181 = arith.constant 0 : i32
    %dma_start3A_182 = tpu.memref_slice %arg7[%add3A_173, %dma_start3A_181] : memref<16384x128xf32, #tpu.memory_space<hbm>> -> memref<128x128xf32, #tpu.memory_space<hbm>>
    %dma_start3A_183 = arith.constant 0 : i32
    %dma_start3A_184 = arith.constant 0 : i32
    %dma_start3A_185 = tpu.memref_slice %arg11[%dma_start3A_174, %dma_start3A_183, %dma_start3A_184] : memref<2x128x128xf32, #tpu.memory_space<vmem>> -> memref<1x128x128xf32, #tpu.memory_space<vmem>>
    %dma_start3A_186 = tpu.memref_squeeze %dma_start3A_185 : memref<1x128x128xf32, #tpu.memory_space<vmem>> -> memref<128x128xf32, #tpu.memory_space<vmem>>
    tpu.enqueue_dma source(%dma_start3A_186 : memref<128x128xf32, #tpu.memory_space<vmem>>) target(%dma_start3A_182 : memref<128x128xf32, #tpu.memory_space<hbm>>) target_semaphore(%arg19 : memref<!tpu.dma_semaphore, #tpu.memory_space<semaphore_mem>>)
    %dma_wait3A_187 = arith.constant 1 : i32
    %dma_wait3A_188 = arith.constant 0 : i32
    %dma_wait3A_189 = arith.constant 0 : i32
    %dma_wait3A_190 = tpu.memref_slice %arg10[%dma_wait3A_187, %dma_wait3A_188, %dma_wait3A_189] : memref<2x128x128xf32, #tpu.memory_space<vmem>> -> memref<1x128x128xf32, #tpu.memory_space<vmem>>
    %dma_wait3A_191 = tpu.memref_squeeze %dma_wait3A_190 : memref<1x128x128xf32, #tpu.memory_space<vmem>> -> memref<128x128xf32, #tpu.memory_space<vmem>>
    %dma_wait3A_192 = arith.constant 0 : i32
    %dma_wait3A_193 = tpu.memref_slice %arg6[%add3A_158, %dma_wait3A_192] : memref<16384x128xf32, #tpu.memory_space<hbm>> -> memref<128x128xf32, #tpu.memory_space<hbm>>
    %dma_wait3A_194 = arith.constant 0 : i32
    %dma_wait3A_195 = tpu.memref_slice %arg6[%add3A_158, %dma_wait3A_194] : memref<16384x128xf32, #tpu.memory_space<hbm>> -> memref<128x128xf32, #tpu.memory_space<hbm>>
    %dma_wait3A_196 = arith.constant 0 : i32
    %dma_wait3A_197 = arith.constant 0 : i32
    %dma_wait3A_198 = tpu.memref_slice %arg10[%dma_wait3A_187, %dma_wait3A_196, %dma_wait3A_197] : memref<2x128x128xf32, #tpu.memory_space<vmem>> -> memref<1x128x128xf32, #tpu.memory_space<vmem>>
    %dma_wait3A_199 = tpu.memref_squeeze %dma_wait3A_198 : memref<1x128x128xf32, #tpu.memory_space<vmem>> -> memref<128x128xf32, #tpu.memory_space<vmem>>
    tpu.wait_dma2 semaphore(%arg17 : memref<!tpu.dma_semaphore, #tpu.memory_space<semaphore_mem>>) src(%dma_wait3A_199 : memref<128x128xf32, #tpu.memory_space<vmem>>) dst(%dma_wait3A_195 : memref<128x128xf32, #tpu.memory_space<hbm>>)
    %dma_wait3A_200 = arith.constant 1 : i32
    %dma_wait3A_201 = arith.constant 0 : i32
    %dma_wait3A_202 = arith.constant 0 : i32
    %dma_wait3A_203 = tpu.memref_slice %arg11[%dma_wait3A_200, %dma_wait3A_201, %dma_wait3A_202] : memref<2x128x128xf32, #tpu.memory_space<vmem>> -> memref<1x128x128xf32, #tpu.memory_space<vmem>>
    %dma_wait3A_204 = tpu.memref_squeeze %dma_wait3A_203 : memref<1x128x128xf32, #tpu.memory_space<vmem>> -> memref<128x128xf32, #tpu.memory_space<vmem>>
    %dma_wait3A_205 = arith.constant 0 : i32
    %dma_wait3A_206 = tpu.memref_slice %arg7[%add3A_173, %dma_wait3A_205] : memref<16384x128xf32, #tpu.memory_space<hbm>> -> memref<128x128xf32, #tpu.memory_space<hbm>>
    %dma_wait3A_207 = arith.constant 0 : i32
    %dma_wait3A_208 = tpu.memref_slice %arg7[%add3A_173, %dma_wait3A_207] : memref<16384x128xf32, #tpu.memory_space<hbm>> -> memref<128x128xf32, #tpu.memory_space<hbm>>
    %dma_wait3A_209 = arith.constant 0 : i32
    %dma_wait3A_210 = arith.constant 0 : i32
    %dma_wait3A_211 = tpu.memref_slice %arg11[%dma_wait3A_200, %dma_wait3A_209, %dma_wait3A_210] : memref<2x128x128xf32, #tpu.memory_space<vmem>> -> memref<1x128x128xf32, #tpu.memory_space<vmem>>
    %dma_wait3A_212 = tpu.memref_squeeze %dma_wait3A_211 : memref<1x128x128xf32, #tpu.memory_space<vmem>> -> memref<128x128xf32, #tpu.memory_space<vmem>>
    tpu.wait_dma2 semaphore(%arg19 : memref<!tpu.dma_semaphore, #tpu.memory_space<semaphore_mem>>) src(%dma_wait3A_212 : memref<128x128xf32, #tpu.memory_space<vmem>>) dst(%dma_wait3A_208 : memref<128x128xf32, #tpu.memory_space<hbm>>)
    %dma_start3A_213 = arith.constant 1 : i32
    %dma_start3A_214 = arith.constant 0 : i32
    %dma_start3A_215 = arith.constant 0 : i32
    %dma_start3A_216 = tpu.memref_slice %arg10[%dma_start3A_213, %dma_start3A_214, %dma_start3A_215] : memref<2x128x128xf32, #tpu.memory_space<vmem>> -> memref<1x128x128xf32, #tpu.memory_space<vmem>>
    %dma_start3A_217 = tpu.memref_squeeze %dma_start3A_216 : memref<1x128x128xf32, #tpu.memory_space<vmem>> -> memref<128x128xf32, #tpu.memory_space<vmem>>
    %dma_start3A_218 = arith.constant 384 : i32
    %dma_start3A_219 = tpu.memref_slice %arg8[%dma_start3A_218] : memref<512xi32, #tpu.memory_space<vmem>> -> memref<128xi32, #tpu.memory_space<vmem>>
    %dma_start3A_220 = arith.constant 0 : i32
    %dma_start3A_221 = arith.constant 0 : i32
    %dma_start3A_222 = tpu.memref_slice %arg2[%dma_start3A_220, %dma_start3A_221] : memref<100000x128xf32, #tpu.memory_space<hbm>> -> memref<100000x128xf32, #tpu.memory_space<hbm>>
    tpu.enqueue_indirect_dma source(%dma_start3A_222 : memref<100000x128xf32, #tpu.memory_space<hbm>>) target(%dma_start3A_217 : memref<128x128xf32, #tpu.memory_space<vmem>>) offsets(%dma_start3A_219 : memref<128xi32, #tpu.memory_space<vmem>>) semaphore(%arg13 : memref<!tpu.dma_semaphore, #tpu.memory_space<semaphore_mem>>)
    %dma_start3A_223 = arith.constant 1 : i32
    %dma_start3A_224 = arith.constant 0 : i32
    %dma_start3A_225 = arith.constant 0 : i32
    %dma_start3A_226 = tpu.memref_slice %arg11[%dma_start3A_223, %dma_start3A_224, %dma_start3A_225] : memref<2x128x128xf32, #tpu.memory_space<vmem>> -> memref<1x128x128xf32, #tpu.memory_space<vmem>>
    %dma_start3A_227 = tpu.memref_squeeze %dma_start3A_226 : memref<1x128x128xf32, #tpu.memory_space<vmem>> -> memref<128x128xf32, #tpu.memory_space<vmem>>
    %dma_start3A_228 = arith.constant 384 : i32
    %dma_start3A_229 = tpu.memref_slice %arg9[%dma_start3A_228] : memref<512xi32, #tpu.memory_space<vmem>> -> memref<128xi32, #tpu.memory_space<vmem>>
    %dma_start3A_230 = arith.constant 0 : i32
    %dma_start3A_231 = arith.constant 0 : i32
    %dma_start3A_232 = tpu.memref_slice %arg3[%dma_start3A_230, %dma_start3A_231] : memref<100000x128xf32, #tpu.memory_space<hbm>> -> memref<100000x128xf32, #tpu.memory_space<hbm>>
    tpu.enqueue_indirect_dma source(%dma_start3A_232 : memref<100000x128xf32, #tpu.memory_space<hbm>>) target(%dma_start3A_227 : memref<128x128xf32, #tpu.memory_space<vmem>>) offsets(%dma_start3A_229 : memref<128xi32, #tpu.memory_space<vmem>>) semaphore(%arg15 : memref<!tpu.dma_semaphore, #tpu.memory_space<semaphore_mem>>)
    %dma_wait3A_233 = arith.constant 0 : i32
    %dma_wait3A_234 = arith.constant 0 : i32
    %dma_wait3A_235 = arith.constant 0 : i32
    %dma_wait3A_236 = tpu.memref_slice %arg10[%dma_wait3A_233, %dma_wait3A_234, %dma_wait3A_235] : memref<2x128x128xf32, #tpu.memory_space<vmem>> -> memref<1x128x128xf32, #tpu.memory_space<vmem>>
    %dma_wait3A_237 = tpu.memref_squeeze %dma_wait3A_236 : memref<1x128x128xf32, #tpu.memory_space<vmem>> -> memref<128x128xf32, #tpu.memory_space<vmem>>
    %dma_wait3A_238 = arith.constant 256 : i32
    %dma_wait3A_239 = tpu.memref_slice %arg8[%dma_wait3A_238] : memref<512xi32, #tpu.memory_space<vmem>> -> memref<128xi32, #tpu.memory_space<vmem>>
    %dma_wait3A_240 = arith.constant 0 : i32
    %dma_wait3A_241 = arith.constant 0 : i32
    %dma_wait3A_242 = tpu.memref_slice %arg2[%dma_wait3A_240, %dma_wait3A_241] : memref<100000x128xf32, #tpu.memory_space<hbm>> -> memref<100000x128xf32, #tpu.memory_space<hbm>>
    tpu.wait_indirect_dma semaphore(%arg12 : memref<!tpu.dma_semaphore, #tpu.memory_space<semaphore_mem>>) src(%dma_wait3A_242 : memref<100000x128xf32, #tpu.memory_space<hbm>>) dst(%dma_wait3A_237 : memref<128x128xf32, #tpu.memory_space<vmem>>)
    %dma_wait3A_243 = arith.constant 0 : i32
    %dma_wait3A_244 = arith.constant 0 : i32
    %dma_wait3A_245 = arith.constant 0 : i32
    %dma_wait3A_246 = tpu.memref_slice %arg11[%dma_wait3A_243, %dma_wait3A_244, %dma_wait3A_245] : memref<2x128x128xf32, #tpu.memory_space<vmem>> -> memref<1x128x128xf32, #tpu.memory_space<vmem>>
    %dma_wait3A_247 = tpu.memref_squeeze %dma_wait3A_246 : memref<1x128x128xf32, #tpu.memory_space<vmem>> -> memref<128x128xf32, #tpu.memory_space<vmem>>
    %dma_wait3A_248 = arith.constant 256 : i32
    %dma_wait3A_249 = tpu.memref_slice %arg9[%dma_wait3A_248] : memref<512xi32, #tpu.memory_space<vmem>> -> memref<128xi32, #tpu.memory_space<vmem>>
    %dma_wait3A_250 = arith.constant 0 : i32
    %dma_wait3A_251 = arith.constant 0 : i32
    %dma_wait3A_252 = tpu.memref_slice %arg3[%dma_wait3A_250, %dma_wait3A_251] : memref<100000x128xf32, #tpu.memory_space<hbm>> -> memref<100000x128xf32, #tpu.memory_space<hbm>>
    tpu.wait_indirect_dma semaphore(%arg14 : memref<!tpu.dma_semaphore, #tpu.memory_space<semaphore_mem>>) src(%dma_wait3A_252 : memref<100000x128xf32, #tpu.memory_space<hbm>>) dst(%dma_wait3A_247 : memref<128x128xf32, #tpu.memory_space<vmem>>)
    %add3A_253 = arith.constant 256 : i32
    %add3A_254 = arith.addi %mul3A_2, %add3A_253 : i32
    %dma_start3A_255 = arith.constant 0 : i32
    %dma_start3A_256 = arith.constant 0 : i32
    %dma_start3A_257 = arith.constant 0 : i32
    %dma_start3A_258 = tpu.memref_slice %arg10[%dma_start3A_255, %dma_start3A_256, %dma_start3A_257] : memref<2x128x128xf32, #tpu.memory_space<vmem>> -> memref<1x128x128xf32, #tpu.memory_space<vmem>>
    %dma_start3A_259 = tpu.memref_squeeze %dma_start3A_258 : memref<1x128x128xf32, #tpu.memory_space<vmem>> -> memref<128x128xf32, #tpu.memory_space<vmem>>
    %dma_start3A_260 = arith.constant 0 : i32
    %dma_start3A_261 = tpu.memref_slice %arg6[%add3A_254, %dma_start3A_260] : memref<16384x128xf32, #tpu.memory_space<hbm>> -> memref<128x128xf32, #tpu.memory_space<hbm>>
    %dma_start3A_262 = arith.constant 0 : i32
    %dma_start3A_263 = tpu.memref_slice %arg6[%add3A_254, %dma_start3A_262] : memref<16384x128xf32, #tpu.memory_space<hbm>> -> memref<128x128xf32, #tpu.memory_space<hbm>>
    %dma_start3A_264 = arith.constant 0 : i32
    %dma_start3A_265 = arith.constant 0 : i32
    %dma_start3A_266 = tpu.memref_slice %arg10[%dma_start3A_255, %dma_start3A_264, %dma_start3A_265] : memref<2x128x128xf32, #tpu.memory_space<vmem>> -> memref<1x128x128xf32, #tpu.memory_space<vmem>>
    %dma_start3A_267 = tpu.memref_squeeze %dma_start3A_266 : memref<1x128x128xf32, #tpu.memory_space<vmem>> -> memref<128x128xf32, #tpu.memory_space<vmem>>
    tpu.enqueue_dma source(%dma_start3A_267 : memref<128x128xf32, #tpu.memory_space<vmem>>) target(%dma_start3A_263 : memref<128x128xf32, #tpu.memory_space<hbm>>) target_semaphore(%arg16 : memref<!tpu.dma_semaphore, #tpu.memory_space<semaphore_mem>>)
    %add3A_268 = arith.constant 256 : i32
    %add3A_269 = arith.addi %mul3A_2, %add3A_268 : i32
    %dma_start3A_270 = arith.constant 0 : i32
    %dma_start3A_271 = arith.constant 0 : i32
    %dma_start3A_272 = arith.constant 0 : i32
    %dma_start3A_273 = tpu.memref_slice %arg11[%dma_start3A_270, %dma_start3A_271, %dma_start3A_272] : memref<2x128x128xf32, #tpu.memory_space<vmem>> -> memref<1x128x128xf32, #tpu.memory_space<vmem>>
    %dma_start3A_274 = tpu.memref_squeeze %dma_start3A_273 : memref<1x128x128xf32, #tpu.memory_space<vmem>> -> memref<128x128xf32, #tpu.memory_space<vmem>>
    %dma_start3A_275 = arith.constant 0 : i32
    %dma_start3A_276 = tpu.memref_slice %arg7[%add3A_269, %dma_start3A_275] : memref<16384x128xf32, #tpu.memory_space<hbm>> -> memref<128x128xf32, #tpu.memory_space<hbm>>
    %dma_start3A_277 = arith.constant 0 : i32
    %dma_start3A_278 = tpu.memref_slice %arg7[%add3A_269, %dma_start3A_277] : memref<16384x128xf32, #tpu.memory_space<hbm>> -> memref<128x128xf32, #tpu.memory_space<hbm>>
    %dma_start3A_279 = arith.constant 0 : i32
    %dma_start3A_280 = arith.constant 0 : i32
    %dma_start3A_281 = tpu.memref_slice %arg11[%dma_start3A_270, %dma_start3A_279, %dma_start3A_280] : memref<2x128x128xf32, #tpu.memory_space<vmem>> -> memref<1x128x128xf32, #tpu.memory_space<vmem>>
    %dma_start3A_282 = tpu.memref_squeeze %dma_start3A_281 : memref<1x128x128xf32, #tpu.memory_space<vmem>> -> memref<128x128xf32, #tpu.memory_space<vmem>>
    tpu.enqueue_dma source(%dma_start3A_282 : memref<128x128xf32, #tpu.memory_space<vmem>>) target(%dma_start3A_278 : memref<128x128xf32, #tpu.memory_space<hbm>>) target_semaphore(%arg18 : memref<!tpu.dma_semaphore, #tpu.memory_space<semaphore_mem>>)
    %dma_wait3A_283 = arith.constant 1 : i32
    %dma_wait3A_284 = arith.constant 0 : i32
    %dma_wait3A_285 = arith.constant 0 : i32
    %dma_wait3A_286 = tpu.memref_slice %arg10[%dma_wait3A_283, %dma_wait3A_284, %dma_wait3A_285] : memref<2x128x128xf32, #tpu.memory_space<vmem>> -> memref<1x128x128xf32, #tpu.memory_space<vmem>>
    %dma_wait3A_287 = tpu.memref_squeeze %dma_wait3A_286 : memref<1x128x128xf32, #tpu.memory_space<vmem>> -> memref<128x128xf32, #tpu.memory_space<vmem>>
    %dma_wait3A_288 = arith.constant 384 : i32
    %dma_wait3A_289 = tpu.memref_slice %arg8[%dma_wait3A_288] : memref<512xi32, #tpu.memory_space<vmem>> -> memref<128xi32, #tpu.memory_space<vmem>>
    %dma_wait3A_290 = arith.constant 0 : i32
    %dma_wait3A_291 = arith.constant 0 : i32
    %dma_wait3A_292 = tpu.memref_slice %arg2[%dma_wait3A_290, %dma_wait3A_291] : memref<100000x128xf32, #tpu.memory_space<hbm>> -> memref<100000x128xf32, #tpu.memory_space<hbm>>
    tpu.wait_indirect_dma semaphore(%arg13 : memref<!tpu.dma_semaphore, #tpu.memory_space<semaphore_mem>>) src(%dma_wait3A_292 : memref<100000x128xf32, #tpu.memory_space<hbm>>) dst(%dma_wait3A_287 : memref<128x128xf32, #tpu.memory_space<vmem>>)
    %dma_wait3A_293 = arith.constant 1 : i32
    %dma_wait3A_294 = arith.constant 0 : i32
    %dma_wait3A_295 = arith.constant 0 : i32
    %dma_wait3A_296 = tpu.memref_slice %arg11[%dma_wait3A_293, %dma_wait3A_294, %dma_wait3A_295] : memref<2x128x128xf32, #tpu.memory_space<vmem>> -> memref<1x128x128xf32, #tpu.memory_space<vmem>>
    %dma_wait3A_297 = tpu.memref_squeeze %dma_wait3A_296 : memref<1x128x128xf32, #tpu.memory_space<vmem>> -> memref<128x128xf32, #tpu.memory_space<vmem>>
    %dma_wait3A_298 = arith.constant 384 : i32
    %dma_wait3A_299 = tpu.memref_slice %arg9[%dma_wait3A_298] : memref<512xi32, #tpu.memory_space<vmem>> -> memref<128xi32, #tpu.memory_space<vmem>>
    %dma_wait3A_300 = arith.constant 0 : i32
    %dma_wait3A_301 = arith.constant 0 : i32
    %dma_wait3A_302 = tpu.memref_slice %arg3[%dma_wait3A_300, %dma_wait3A_301] : memref<100000x128xf32, #tpu.memory_space<hbm>> -> memref<100000x128xf32, #tpu.memory_space<hbm>>
    tpu.wait_indirect_dma semaphore(%arg15 : memref<!tpu.dma_semaphore, #tpu.memory_space<semaphore_mem>>) src(%dma_wait3A_302 : memref<100000x128xf32, #tpu.memory_space<hbm>>) dst(%dma_wait3A_297 : memref<128x128xf32, #tpu.memory_space<vmem>>)
    %add3A_303 = arith.constant 384 : i32
    %add3A_304 = arith.addi %mul3A_2, %add3A_303 : i32
    %dma_start3A_305 = arith.constant 1 : i32
    %dma_start3A_306 = arith.constant 0 : i32
    %dma_start3A_307 = arith.constant 0 : i32
    %dma_start3A_308 = tpu.memref_slice %arg10[%dma_start3A_305, %dma_start3A_306, %dma_start3A_307] : memref<2x128x128xf32, #tpu.memory_space<vmem>> -> memref<1x128x128xf32, #tpu.memory_space<vmem>>
    %dma_start3A_309 = tpu.memref_squeeze %dma_start3A_308 : memref<1x128x128xf32, #tpu.memory_space<vmem>> -> memref<128x128xf32, #tpu.memory_space<vmem>>
    %dma_start3A_310 = arith.constant 0 : i32
    %dma_start3A_311 = tpu.memref_slice %arg6[%add3A_304, %dma_start3A_310] : memref<16384x128xf32, #tpu.memory_space<hbm>> -> memref<128x128xf32, #tpu.memory_space<hbm>>
    %dma_start3A_312 = arith.constant 0 : i32
    %dma_start3A_313 = tpu.memref_slice %arg6[%add3A_304, %dma_start3A_312] : memref<16384x128xf32, #tpu.memory_space<hbm>> -> memref<128x128xf32, #tpu.memory_space<hbm>>
    %dma_start3A_314 = arith.constant 0 : i32
    %dma_start3A_315 = arith.constant 0 : i32
    %dma_start3A_316 = tpu.memref_slice %arg10[%dma_start3A_305, %dma_start3A_314, %dma_start3A_315] : memref<2x128x128xf32, #tpu.memory_space<vmem>> -> memref<1x128x128xf32, #tpu.memory_space<vmem>>
    %dma_start3A_317 = tpu.memref_squeeze %dma_start3A_316 : memref<1x128x128xf32, #tpu.memory_space<vmem>> -> memref<128x128xf32, #tpu.memory_space<vmem>>
    tpu.enqueue_dma source(%dma_start3A_317 : memref<128x128xf32, #tpu.memory_space<vmem>>) target(%dma_start3A_313 : memref<128x128xf32, #tpu.memory_space<hbm>>) target_semaphore(%arg17 : memref<!tpu.dma_semaphore, #tpu.memory_space<semaphore_mem>>)
    %add3A_318 = arith.constant 384 : i32
    %add3A_319 = arith.addi %mul3A_2, %add3A_318 : i32
    %dma_start3A_320 = arith.constant 1 : i32
    %dma_start3A_321 = arith.constant 0 : i32
    %dma_start3A_322 = arith.constant 0 : i32
    %dma_start3A_323 = tpu.memref_slice %arg11[%dma_start3A_320, %dma_start3A_321, %dma_start3A_322] : memref<2x128x128xf32, #tpu.memory_space<vmem>> -> memref<1x128x128xf32, #tpu.memory_space<vmem>>
    %dma_start3A_324 = tpu.memref_squeeze %dma_start3A_323 : memref<1x128x128xf32, #tpu.memory_space<vmem>> -> memref<128x128xf32, #tpu.memory_space<vmem>>
    %dma_start3A_325 = arith.constant 0 : i32
    %dma_start3A_326 = tpu.memref_slice %arg7[%add3A_319, %dma_start3A_325] : memref<16384x128xf32, #tpu.memory_space<hbm>> -> memref<128x128xf32, #tpu.memory_space<hbm>>
    %dma_start3A_327 = arith.constant 0 : i32
    %dma_start3A_328 = tpu.memref_slice %arg7[%add3A_319, %dma_start3A_327] : memref<16384x128xf32, #tpu.memory_space<hbm>> -> memref<128x128xf32, #tpu.memory_space<hbm>>
    %dma_start3A_329 = arith.constant 0 : i32
    %dma_start3A_330 = arith.constant 0 : i32
    %dma_start3A_331 = tpu.memref_slice %arg11[%dma_start3A_320, %dma_start3A_329, %dma_start3A_330] : memref<2x128x128xf32, #tpu.memory_space<vmem>> -> memref<1x128x128xf32, #tpu.memory_space<vmem>>
    %dma_start3A_332 = tpu.memref_squeeze %dma_start3A_331 : memref<1x128x128xf32, #tpu.memory_space<vmem>> -> memref<128x128xf32, #tpu.memory_space<vmem>>
    tpu.enqueue_dma source(%dma_start3A_332 : memref<128x128xf32, #tpu.memory_space<vmem>>) target(%dma_start3A_328 : memref<128x128xf32, #tpu.memory_space<hbm>>) target_semaphore(%arg19 : memref<!tpu.dma_semaphore, #tpu.memory_space<semaphore_mem>>)
    %dma_wait3A_333 = arith.constant 1 : i32
    %dma_wait3A_334 = arith.constant 0 : i32
    %dma_wait3A_335 = arith.constant 0 : i32
    %dma_wait3A_336 = tpu.memref_slice %arg10[%dma_wait3A_333, %dma_wait3A_334, %dma_wait3A_335] : memref<2x128x128xf32, #tpu.memory_space<vmem>> -> memref<1x128x128xf32, #tpu.memory_space<vmem>>
    %dma_wait3A_337 = tpu.memref_squeeze %dma_wait3A_336 : memref<1x128x128xf32, #tpu.memory_space<vmem>> -> memref<128x128xf32, #tpu.memory_space<vmem>>
    %dma_wait3A_338 = arith.constant 0 : i32
    %dma_wait3A_339 = tpu.memref_slice %arg6[%add3A_304, %dma_wait3A_338] : memref<16384x128xf32, #tpu.memory_space<hbm>> -> memref<128x128xf32, #tpu.memory_space<hbm>>
    %dma_wait3A_340 = arith.constant 0 : i32
    %dma_wait3A_341 = tpu.memref_slice %arg6[%add3A_304, %dma_wait3A_340] : memref<16384x128xf32, #tpu.memory_space<hbm>> -> memref<128x128xf32, #tpu.memory_space<hbm>>
    %dma_wait3A_342 = arith.constant 0 : i32
    %dma_wait3A_343 = arith.constant 0 : i32
    %dma_wait3A_344 = tpu.memref_slice %arg10[%dma_wait3A_333, %dma_wait3A_342, %dma_wait3A_343] : memref<2x128x128xf32, #tpu.memory_space<vmem>> -> memref<1x128x128xf32, #tpu.memory_space<vmem>>
    %dma_wait3A_345 = tpu.memref_squeeze %dma_wait3A_344 : memref<1x128x128xf32, #tpu.memory_space<vmem>> -> memref<128x128xf32, #tpu.memory_space<vmem>>
    tpu.wait_dma2 semaphore(%arg17 : memref<!tpu.dma_semaphore, #tpu.memory_space<semaphore_mem>>) src(%dma_wait3A_345 : memref<128x128xf32, #tpu.memory_space<vmem>>) dst(%dma_wait3A_341 : memref<128x128xf32, #tpu.memory_space<hbm>>)
    %dma_wait3A_346 = arith.constant 1 : i32
    %dma_wait3A_347 = arith.constant 0 : i32
    %dma_wait3A_348 = arith.constant 0 : i32
    %dma_wait3A_349 = tpu.memref_slice %arg11[%dma_wait3A_346, %dma_wait3A_347, %dma_wait3A_348] : memref<2x128x128xf32, #tpu.memory_space<vmem>> -> memref<1x128x128xf32, #tpu.memory_space<vmem>>
    %dma_wait3A_350 = tpu.memref_squeeze %dma_wait3A_349 : memref<1x128x128xf32, #tpu.memory_space<vmem>> -> memref<128x128xf32, #tpu.memory_space<vmem>>
    %dma_wait3A_351 = arith.constant 0 : i32
    %dma_wait3A_352 = tpu.memref_slice %arg7[%add3A_319, %dma_wait3A_351] : memref<16384x128xf32, #tpu.memory_space<hbm>> -> memref<128x128xf32, #tpu.memory_space<hbm>>
    %dma_wait3A_353 = arith.constant 0 : i32
    %dma_wait3A_354 = tpu.memref_slice %arg7[%add3A_319, %dma_wait3A_353] : memref<16384x128xf32, #tpu.memory_space<hbm>> -> memref<128x128xf32, #tpu.memory_space<hbm>>
    %dma_wait3A_355 = arith.constant 0 : i32
    %dma_wait3A_356 = arith.constant 0 : i32
    %dma_wait3A_357 = tpu.memref_slice %arg11[%dma_wait3A_346, %dma_wait3A_355, %dma_wait3A_356] : memref<2x128x128xf32, #tpu.memory_space<vmem>> -> memref<1x128x128xf32, #tpu.memory_space<vmem>>
    %dma_wait3A_358 = tpu.memref_squeeze %dma_wait3A_357 : memref<1x128x128xf32, #tpu.memory_space<vmem>> -> memref<128x128xf32, #tpu.memory_space<vmem>>
    tpu.wait_dma2 semaphore(%arg19 : memref<!tpu.dma_semaphore, #tpu.memory_space<semaphore_mem>>) src(%dma_wait3A_358 : memref<128x128xf32, #tpu.memory_space<vmem>>) dst(%dma_wait3A_354 : memref<128x128xf32, #tpu.memory_space<hbm>>)
    return
  }
}

module attributes {stable_mosaic.version = 14 : i64} {
  func.func @_mlp_body(%arg0: i32, %arg1: memref<4096x128xf32, #tpu.memory_space<vmem>>, %arg2: memref<4096x128xf32, #tpu.memory_space<vmem>>, %arg3: memref<128x64xf32, #tpu.memory_space<vmem>>, %arg4: memref<128x64xf32, #tpu.memory_space<vmem>>, %arg5: memref<1x64xf32, #tpu.memory_space<vmem>>, %arg6: memref<64x128xf32, #tpu.memory_space<vmem>>, %arg7: memref<1x128xf32, #tpu.memory_space<vmem>>, %arg8: memref<1x128xf32, #tpu.memory_space<vmem>>, %arg9: memref<1x1xf32, #tpu.memory_space<vmem>>, %arg10: memref<4096xf32, #tpu.memory_space<vmem>>) attributes {dimension_semantics = [#tpu.dimension_semantics<arbitrary>], iteration_bounds = array<i64: 4>, scalar_prefetch = 0 : i64, scratch_operands = 0 : i64, tpu.core_type = #tpu.core_type<tc>, window_params = [{transform_indices = @transform_0, window_bounds = array<i64: 4096, 128>}, {transform_indices = @transform_1, window_bounds = array<i64: 4096, 128>}, {pipeline_mode = #tpu.pipeline_mode<synchronous>, transform_indices = @transform_2, window_bounds = array<i64: 128, 64>}, {pipeline_mode = #tpu.pipeline_mode<synchronous>, transform_indices = @transform_3, window_bounds = array<i64: 128, 64>}, {pipeline_mode = #tpu.pipeline_mode<synchronous>, transform_indices = @transform_4, window_bounds = array<i64: 1, 64>}, {pipeline_mode = #tpu.pipeline_mode<synchronous>, transform_indices = @transform_5, window_bounds = array<i64: 64, 128>}, {pipeline_mode = #tpu.pipeline_mode<synchronous>, transform_indices = @transform_6, window_bounds = array<i64: 1, 128>}, {pipeline_mode = #tpu.pipeline_mode<synchronous>, transform_indices = @transform_7, window_bounds = array<i64: 1, 128>}, {pipeline_mode = #tpu.pipeline_mode<synchronous>, transform_indices = @transform_8, window_bounds = array<i64: 1, 1>}, {transform_indices = @transform_9, window_bounds = array<i64: 4096>}]} {
    %get3A = arith.constant 0 : index
    %get3A_0 = arith.constant 0 : index
    %get3A_1 = vector.load %arg1[%get3A, %get3A_0] : memref<4096x128xf32, #tpu.memory_space<vmem>>, vector<4096x128xf32>
    %convert_element_type3A = arith.truncf %get3A_1 : vector<4096x128xf32> to vector<4096x128xbf16>
    %get3A_2 = arith.constant 0 : index
    %get3A_3 = arith.constant 0 : index
    %get3A_4 = vector.load %arg2[%get3A_2, %get3A_3] : memref<4096x128xf32, #tpu.memory_space<vmem>>, vector<4096x128xf32>
    %convert_element_type3A_5 = arith.truncf %get3A_4 : vector<4096x128xf32> to vector<4096x128xbf16>
    %get3A_6 = arith.constant 0 : index
    %get3A_7 = arith.constant 0 : index
    %get3A_8 = vector.load %arg3[%get3A_6, %get3A_7] : memref<128x64xf32, #tpu.memory_space<vmem>>, vector<128x64xf32>
    %convert_element_type3A_9 = arith.truncf %get3A_8 : vector<128x64xf32> to vector<128x64xbf16>
    %dot_general3A = arith.constant dense<0.000000e+00> : vector<4096x64xf32>
    %dot_general3A_10 = tpu.matmul %convert_element_type3A, %convert_element_type3A_9, %dot_general3A {dimension_numbers = #tpu.dot_dimension_numbers<[1], [0], [0], [1], [0, 0, 1, 1], [], []>, transpose_lhs_hint = false} : vector<4096x128xbf16>, vector<128x64xbf16>, vector<4096x64xf32> -> vector<4096x64xf32>
    %get3A_11 = arith.constant 0 : index
    %get3A_12 = arith.constant 0 : index
    %get3A_13 = vector.load %arg4[%get3A_11, %get3A_12] : memref<128x64xf32, #tpu.memory_space<vmem>>, vector<128x64xf32>
    %convert_element_type3A_14 = arith.truncf %get3A_13 : vector<128x64xf32> to vector<128x64xbf16>
    %dot_general3A_15 = arith.constant dense<0.000000e+00> : vector<4096x64xf32>
    %dot_general3A_16 = tpu.matmul %convert_element_type3A_5, %convert_element_type3A_14, %dot_general3A_15 {dimension_numbers = #tpu.dot_dimension_numbers<[1], [0], [0], [1], [0, 0, 1, 1], [], []>, transpose_lhs_hint = false} : vector<4096x128xbf16>, vector<128x64xbf16>, vector<4096x64xf32> -> vector<4096x64xf32>
    %add3A = arith.addf %dot_general3A_10, %dot_general3A_16 : vector<4096x64xf32>
    %get3A_17 = arith.constant 0 : index
    %get3A_18 = arith.constant 0 : index
    %get3A_19 = vector.load %arg5[%get3A_17, %get3A_18] : memref<1x64xf32, #tpu.memory_space<vmem>>, vector<1x64xf32>
    %add3A_20 = vector.broadcast %get3A_19 : vector<1x64xf32> to vector<4096x64xf32>
    %add3A_21 = arith.addf %add3A, %add3A_20 : vector<4096x64xf32>
    %max3A = arith.constant 0.000000e+00 : f32
    %max3A_22 = vector.broadcast %max3A : f32 to vector<4096x64xf32>
    %max3A_23 = arith.maximumf %add3A_21, %max3A_22 : vector<4096x64xf32>
    %get3A_24 = arith.constant 0 : index
    %get3A_25 = arith.constant 0 : index
    %get3A_26 = vector.load %arg6[%get3A_24, %get3A_25] : memref<64x128xf32, #tpu.memory_space<vmem>>, vector<64x128xf32>
    %dot_general3A_27 = arith.constant dense<0.000000e+00> : vector<4096x128xf32>
    %dot_general3A_28 = tpu.matmul %max3A_23, %get3A_26, %dot_general3A_27 {dimension_numbers = #tpu.dot_dimension_numbers<[1], [0], [0], [1], [0, 0, 1, 1], [], []>, transpose_lhs_hint = false} : vector<4096x64xf32>, vector<64x128xf32>, vector<4096x128xf32> -> vector<4096x128xf32>
    %get3A_29 = arith.constant 0 : index
    %get3A_30 = arith.constant 0 : index
    %get3A_31 = vector.load %arg7[%get3A_29, %get3A_30] : memref<1x128xf32, #tpu.memory_space<vmem>>, vector<1x128xf32>
    %add3A_32 = vector.broadcast %get3A_31 : vector<1x128xf32> to vector<4096x128xf32>
    %add3A_33 = arith.addf %dot_general3A_28, %add3A_32 : vector<4096x128xf32>
    %max3A_34 = arith.constant 0.000000e+00 : f32
    %max3A_35 = vector.broadcast %max3A_34 : f32 to vector<4096x128xf32>
    %max3A_36 = arith.maximumf %add3A_33, %max3A_35 : vector<4096x128xf32>
    %transpose3A = tpu.transpose %max3A_36, [1, 0] : vector<4096x128xf32> -> vector<128x4096xf32>
    %get3A_37 = arith.constant 0 : index
    %get3A_38 = arith.constant 0 : index
    %get3A_39 = vector.load %arg8[%get3A_37, %get3A_38] : memref<1x128xf32, #tpu.memory_space<vmem>>, vector<1x128xf32>
    %dot_general3A_40 = arith.constant dense<0.000000e+00> : vector<1x4096xf32>
    %dot_general3A_41 = tpu.matmul %get3A_39, %transpose3A, %dot_general3A_40 {dimension_numbers = #tpu.dot_dimension_numbers<[1], [0], [0], [1], [0, 0, 1, 1], [], []>, transpose_lhs_hint = false} : vector<1x128xf32>, vector<128x4096xf32>, vector<1x4096xf32> -> vector<1x4096xf32>
    %get3A_42 = arith.constant 0 : index
    %get3A_43 = arith.constant 0 : index
    %get3A_44 = vector.load %arg9[%get3A_42, %get3A_43] : memref<1x1xf32, #tpu.memory_space<vmem>>, vector<1x1xf32>
    %add3A_45 = vector.broadcast %get3A_44 : vector<1x1xf32> to vector<1x4096xf32>
    %add3A_46 = arith.addf %dot_general3A_41, %add3A_45 : vector<1x4096xf32>
    %squeeze3A = vector.shape_cast %add3A_46 : vector<1x4096xf32> to vector<4096xf32>
    %logistic3A = arith.negf %squeeze3A : vector<4096xf32>
    %logistic3A_47 = math.exp %logistic3A : vector<4096xf32>
    %logistic3A_48 = arith.constant 1.000000e+00 : f32
    %logistic3A_49 = vector.broadcast %logistic3A_48 : f32 to vector<4096xf32>
    %logistic3A_50 = arith.addf %logistic3A_49, %logistic3A_47 : vector<4096xf32>
    %logistic3A_51 = arith.divf %logistic3A_49, %logistic3A_50 : vector<4096xf32>
    %mul3A = arith.constant 4.000000e+00 : f32
    %mul3A_52 = vector.broadcast %mul3A : f32 to vector<4096xf32>
    %mul3A_53 = arith.mulf %logistic3A_51, %mul3A_52 : vector<4096xf32>
    %add3A_54 = arith.constant 1.000000e+00 : f32
    %add3A_55 = vector.broadcast %add3A_54 : f32 to vector<4096xf32>
    %add3A_56 = arith.addf %mul3A_53, %add3A_55 : vector<4096xf32>
    %swap3A = arith.constant 0 : index
    %swap3A_57 = vector.load %arg10[%swap3A] : memref<4096xf32, #tpu.memory_space<vmem>>, vector<4096xf32>
    tpu.vector_store %arg10[%swap3A], %add3A_56 {strides = array<i32>} : memref<4096xf32, #tpu.memory_space<vmem>>, vector<4096xf32>,
    return
  }
  func.func @transform_0(%arg0: i32) -> (i32, i32) {
    %c0_i32 = arith.constant 0 : i32
    %c0_i32_0 = arith.constant 0 : i32
    return %arg0, %c0_i32 : i32, i32
  }
  func.func @transform_1(%arg0: i32) -> (i32, i32) {
    %c0_i32 = arith.constant 0 : i32
    %c0_i32_0 = arith.constant 0 : i32
    return %arg0, %c0_i32 : i32, i32
  }
  func.func @transform_2(%arg0: i32) -> (i32, i32) {
    %c0_i32 = arith.constant 0 : i32
    %c0_i32_0 = arith.constant 0 : i32
    %c0_i32_1 = arith.constant 0 : i32
    return %c0_i32, %c0_i32_0 : i32, i32
  }
  func.func @transform_3(%arg0: i32) -> (i32, i32) {
    %c0_i32 = arith.constant 0 : i32
    %c0_i32_0 = arith.constant 0 : i32
    %c0_i32_1 = arith.constant 0 : i32
    return %c0_i32, %c0_i32_0 : i32, i32
  }
  func.func @transform_4(%arg0: i32) -> (i32, i32) {
    %c0_i32 = arith.constant 0 : i32
    %c0_i32_0 = arith.constant 0 : i32
    %c0_i32_1 = arith.constant 0 : i32
    return %c0_i32, %c0_i32_0 : i32, i32
  }
  func.func @transform_5(%arg0: i32) -> (i32, i32) {
    %c0_i32 = arith.constant 0 : i32
    %c0_i32_0 = arith.constant 0 : i32
    %c0_i32_1 = arith.constant 0 : i32
    return %c0_i32, %c0_i32_0 : i32, i32
  }
  func.func @transform_6(%arg0: i32) -> (i32, i32) {
    %c0_i32 = arith.constant 0 : i32
    %c0_i32_0 = arith.constant 0 : i32
    %c0_i32_1 = arith.constant 0 : i32
    return %c0_i32, %c0_i32_0 : i32, i32
  }
  func.func @transform_7(%arg0: i32) -> (i32, i32) {
    %c0_i32 = arith.constant 0 : i32
    %c0_i32_0 = arith.constant 0 : i32
    %c0_i32_1 = arith.constant 0 : i32
    return %c0_i32, %c0_i32_0 : i32, i32
  }
  func.func @transform_8(%arg0: i32) -> (i32, i32) {
    %c0_i32 = arith.constant 0 : i32
    %c0_i32_0 = arith.constant 0 : i32
    %c0_i32_1 = arith.constant 0 : i32
    return %c0_i32, %c0_i32_0 : i32, i32
  }
  func.func @transform_9(%arg0: i32) -> i32 {
    %c0_i32 = arith.constant 0 : i32
    return %arg0 : i32
  }
}

</mosaic_0001>

<sc_bundles>
// kernel: kernel.4.cloned.1.call-start
scs
__scs_entry_jumppad:
0x0: {  	(pc) =	sbr.rel $0x88, $3  }
0x1: {  	(tag) =	ssettag $0x0;
	lr =	simm.s32 $0x1  }
0x2: {  	[smem:$0x3F98] =	sst lr;
	_ =	strace $0xD0000000  }
0x3: {  	_ = 	snop  }
0x4: {  	_ = 	snop  }
0x5: {  	_ = 	snop  }
0x6: {  	_ = 	snop  }
0x7: {  	_ = 	snop  }
__scs_overlays_trampoline_lowered:
0x8: {  	[smem:$0x3FA7] =	sst s0  }
0x9: {  	[smem:$0x3FA8] =	sst s1  }
0xa: {  	[smem:$0x3FA9] =	sst s2  }
0xb: {  	[smem:$0x3FAA] =	sst s3  }
0xc: {  	[smem:$0x3FAB] =	sst s4  }
0xd: {  	[smem:$0x3FAC] =	sst s5  }
0xe: {  	[smem:$0x3FAD] =	sst s6  }
0xf: {  	[smem:$0x3FAE] =	sst s7  }
0x10: {  	[smem:$0x3FAF] =	sst s8  }
0x11: {  	[smem:$0x3FB0] =	sst s9;
	s0 =	simm.s32 @!p0 $0x0  }
0x12: {  	s1 =	sld [smem:$0x3F96];
	s0 =	simm.s32 @p0 $0x1  }
0x13: {  	[smem:$0x3FB1] =	sst s0;
	s0 =	simm.s32 @!p1 $0x0  }
0x14: {  	s2 =	sld [smem:$0x3F95];
	s0 =	simm.s32 @p1 $0x1  }
0x15: {  	[smem:$0x3FB2] =	sst s0;
	s0 =	simm.s32 @!p2 $0x0  }
0x16: {  	s3 =	sld [smem:$0x3FDB];
	s0 =	simm.s32 @p2 $0x1  }
0x17: {  	s4 =	simm.s32 $0x1BF5;
	[smem:$0x3FB4] =	sst s0  }
0x18: {  	s0 =	sld [smem:$0x3F97];
	_ =	swait.ge [sflag:s4], $0x0  }
0x19: {  	s7 =	sld [smem:$0x3F98]  }
0x1a: {  	s8 =	sadd.s32 $0xFFFFE003, lr  }
0x1b: {  	s9 =	sadd.s32 $0xFFFFFEF7, lr;
	s5 =	simm.s32 $0xFFFFFFFF;
	p2 =	slt.u32 s8, $0xFFFFF086  }
0x1c: {  	p1 =	slt.u32 s9, $0xF7A;
	s5 =	simm.s32 @!p2 $0x0  }
0x1d: {  	s5 =	simm.s32 @p1 $0x1;
	p0 =	seq.s32 s7, s2  }
0x1e: {  	s7 =	smul.u32 @!p0 $0xF7A, s2;
	p2 =	seq.s32 @!p0 s5, $0x0  }
0x1f: {  	s9 =	smul.u32 $0xF7A, s1;
	s8 =	simm.s32 @!p0 $0x1BF5;
	p2 =	por !p2, p0  }
0x20: {  	[sflag:s8] =	ssyncset.s32 @!p0 $0xFFFFF086;
	s6 =	sadd.s32 @!p0 s3, s7;
	s7 =	simm.s32 @!p0 $0x108  }
0x21: {  	s3 =	sadd.s32 s3, s9;
	s6 =	sadd.s32 @!p0 $0x88, s6;
	s7 =	simm.s32 @p2 $0x1082  }
0x22: {  	[simem:s7], [sflag:s8] =	dma.local @!p0 [hbm:s6], $0xF7A  }
0x23: {  	s9 =	sor.u32 $0xD0000000, s2;
	s6 =	simm.s32 $0x108;
	_ =	swait.ge @!p0 [sflag:s8], $0x0  }
0x24: {  	s3 =	sadd.s32 $0x88, s3;
	s6 =	simm.s32 @!p1 $0x1082;
	[sflag:s4] =	ssyncset.s32 $0xFFFFF086  }
0x25: {  	[simem:s6], [sflag:s4] =	dma.local [hbm:s3], $0xF7A  }
0x26: {  	[smem:$0x3F98] =	sst s1;
	(tag) =	ssettag s2;
	_ =	strace s9  }
0x27: {  	s1 =	sld [smem:$0x3FA8]  }
0x28: {  	s2 =	sld [smem:$0x3FA9]  }
0x29: {  	s4 =	sld [smem:$0x3FAB]  }
0x2a: {  	p0 =	seq.s32 s5, $0x0;
	s5 =	sld [smem:$0x3FAC]  }
0x2b: {  	s6 =	sld [smem:$0x3FAD]  }
0x2c: {  	s7 =	sld [smem:$0x3FAE]  }
0x2d: {  	s3 =	simm.s32 $0x108;
	s8 =	sld [smem:$0x3FAF]  }
0x2e: {  	s3 =	simm.s32 @!p0 $0x1082;
	s9 =	sld [smem:$0x3FB0]  }
0x2f: {  	lr =	sadd.s32 s0, s3;
	s0 =	sld [smem:$0x3FA7]  }
0x30: {  	s3 =	sld [smem:$0x3FAA]  }
0x31: {  	[smem:$0x3FB3] =	sst s10  }
0x32: {  	s10 =	sld [smem:$0x3FB1];
	_ =	sdelay $0x3  }
0x33: {  	p0 =	seq.s32 s10, $0x1;
	s10 =	sld [smem:$0x3FB3];
	_ =	sdelay $0x3  }
0x34: {  	[smem:$0x3FB3] =	sst s10  }
0x35: {  	s10 =	sld [smem:$0x3FB2];
	_ =	sdelay $0x3  }
0x36: {  	p1 =	seq.s32 s10, $0x1;
	s10 =	sld [smem:$0x3FB3];
	_ =	sdelay $0x3  }
0x37: {  	[smem:$0x3FB3] =	sst s10  }
0x38: {  	s10 =	sld [smem:$0x3FB4]  }
0x39: {  	_ = 	snop;
	(pc) =	sbr.ind lr, $3  }
0x3a: {  	_ = 	snop  }
0x3b: {  	_ = 	snop  }
0x3c: {  	p2 =	seq.s32 s10, $0x1;
	s10 =	sld [smem:$0x3FB3]  }
0x3d: {  	_ =	shalt  }
0x3e: {  	_ =	shalt  }
0x3f: {  	_ =	shalt  }
0x40: {  	_ =	shalt  }
0x41: {  	_ =	shalt  }
0x42: {  	_ =	shalt  }
0x43: {  	_ =	shalt  }
0x44: {  	_ =	shalt  }
0x45: {  	_ =	shalt  }
0x46: {  	_ =	shalt  }
0x47: {  	_ =	shalt  }
0x48: {  	_ =	shalt  }
0x49: {  	_ =	shalt  }
0x4a: {  	_ =	shalt  }
0x4b: {  	_ =	shalt  }
0x4c: {  	_ =	shalt  }
0x4d: {  	_ =	shalt  }
0x4e: {  	_ =	shalt  }
0x4f: {  	_ =	shalt  }
0x50: {  	_ =	shalt  }
0x51: {  	_ =	shalt  }
0x52: {  	_ =	shalt  }
0x53: {  	_ =	shalt  }
0x54: {  	_ =	shalt  }
0x55: {  	_ =	shalt  }
0x56: {  	_ =	shalt  }
0x57: {  	_ =	shalt  }
0x58: {  	_ =	shalt  }
0x59: {  	_ =	shalt  }
0x5a: {  	_ =	shalt  }
0x5b: {  	_ =	shalt  }
0x5c: {  	_ =	shalt  }
0x5d: {  	_ =	shalt  }
0x5e: {  	_ =	shalt  }
0x5f: {  	_ =	shalt  }
0x60: {  	_ =	shalt  }
0x61: {  	_ =	shalt  }
0x62: {  	_ =	shalt  }
0x63: {  	_ =	shalt  }
0x64: {  	_ =	shalt  }
0x65: {  	_ =	shalt  }
0x66: {  	_ =	shalt  }
0x67: {  	_ =	shalt  }
0x68: {  	_ =	shalt  }
0x69: {  	_ =	shalt  }
0x6a: {  	_ =	shalt  }
0x6b: {  	_ =	shalt  }
0x6c: {  	_ =	shalt  }
0x6d: {  	_ =	shalt  }
0x6e: {  	_ =	shalt  }
0x6f: {  	_ =	shalt  }
0x70: {  	_ =	shalt  }
0x71: {  	_ =	shalt  }
0x72: {  	_ =	shalt  }
0x73: {  	_ =	shalt  }
0x74: {  	_ =	shalt  }
0x75: {  	_ =	shalt  }
0x76: {  	_ =	shalt  }
0x77: {  	_ =	shalt  }
0x78: {  	_ =	shalt  }
0x79: {  	_ =	shalt  }
0x7a: {  	_ =	shalt  }
0x7b: {  	_ =	shalt  }
0x7c: {  	_ =	shalt  }
0x7d: {  	_ =	shalt  }
0x7e: {  	_ =	shalt  }
0x7f: {  	_ =	shalt  }
0x80: {  	_ =	shalt  }
0x81: {  	_ =	shalt  }
0x82: {  	_ =	shalt  }
0x83: {  	_ =	shalt  }
0x84: {  	_ =	shalt  }
0x85: {  	_ =	shalt  }
0x86: {  	_ =	shalt  }
0x87: {  	_ =	shalt  }
.Lfunc_end0:
.L_simem_size_0:
called_computation_lowered:
.L_overlay_start_0:
0x88: {  	s2 =	sld [smem:$0x3FD9]  }
0x89: {  	s3 =	sld [smem:$0x3FFE];
	_ =	sdelay $0x1  }
0x8a: {  	s1 =	srdreg.scid  }
0x8b: {  	s0 =	sand.u32 $0x1, s1  }
0x8c: {  	s17 =	sshll.u32 s0, $0xA;
	s2 =	sadd.s32 s3, s2  }
0x8d: {  	s2 =	sadd.s32 s2, s17  }
0x8e: {  	[smem:$0x3FBF] =	sst s2  }
0x8f: {  	_ = 	snop  }
0x90: {  	s2 =	sld [smem:$0x3FC8]  }
0x91: {  	s18 =	sld [smem:$0x3FC7]  }
0x92: {  	s4 =	sld [smem:$0x3FD0];
	(tm) =	ssettm $0x1  }
0x93: {  	s5 =	sld [smem:$0x3FFB];
	_ =	sdelay $0x3  }
0x94: {  	_ =	strace s5  }
0x95: {  	s5 =	sld [smem:$0x3FFC];
	_ =	sdelay $0x3  }
0x96: {  	_ =	strace s5  }
0x97: {  	s5 =	sld [smem:$0x3FFD];
	_ =	sdelay $0x3  }
0x98: {  	_ =	strace s5  }
0x99: {  	_ =	strace $0x8FFFFFFF  }
0x9a: {  	s19 =	sld [smem:$0x3FDB];
	_ =	sdelay $0x1  }
0x9b: {  	s6 =	simm.s32 $_scs_section_size  }
0x9c: {  	s7 =	simm.s32 $_size__tile_overlayer_lowered;
	s8 =	simm.s32 $_tile_overlayer_lowered  }
0x9d: {  	s22 =	simm.s32 $0x1BFF;
	s21 =	sshll.u32 s8, $0x1;
	s5 =	sadd.s32 s6, s19  }
0x9e: {  	s9 =	simm.s32 $0x0;
	s20 =	sshll.u32 s7, $0x1;
	s7 =	sadd.s32 s21, s5  }
0x9f: {  	[timem:s9], [sflag:s22] =	dma.local [hbm:s7], s20  }
0xa0: {  	_ =	swait.ge [sflag:s22], s20  }
0xa1: {  	s6 =	ssub.s32 $0x0, s20;
	[sflag:s22] =	ssyncset.done $0x0  }
0xa2: {  	[sflag:s22] =	ssyncadd.s32 s6;
	_ =	sdelay $0x1  }
0xa3: {  	s23 =	simm.s32 $0x1B8B  }
0xa4: {  	_ =	swait.ge [sflag:s23], $0x1  }
0xa5: {  	[sflag:s23] =	ssyncset.done $0x0  }
0xa6: {  	s25 =	simm.s32 $0x1B8E;
	s24 =	sld [smem:$0x3FFE];
	[sflag:s23] =	ssyncadd.s32 $0xFFFFFFFF  }
0xa7: {  	s26 =	simm.s32 $execute0_lowered;
	[smem:$0x3FD2] =	sst s25  }
0xa8: {  	s7 =	sshll.u32 s26, $0x1;
	_ =	strace $0x80000046;
	[dreg:$0x1] =	wrdreg $0xFFFFFFFF  }
0xa9: {  	s28 =	simm.s32 $_size_execute0_lowered;
	s5 =	sadd.s32 s5, s7;
	[dreg:$0x0] =	wrdreg $0x0  }
0xaa: {  	s7 =	sshll.u32 s28, $0x1;
	[dreg:$0x2] =	wrdreg s5  }
0xab: {  	[dreg:$0x3] =	wrdreg s7  }
0xac: {  	[dreg:$0x4] =	wrdreg $0xC0  }
0xad: {  	_ =	task [dreg:s9], $0x5FFFF  }
0xae: {  	[dreg:$0x1] =	wrdreg $0xFFFFFFFF  }
0xaf: {  	[dreg:$0x0] =	wrdreg $0x60  }
0xb0: {  	[dreg:$0x2] =	wrdreg s2  }
0xb1: {  	[dreg:$0x3] =	wrdreg s18  }
0xb2: {  	[dreg:$0x4] =	wrdreg s24  }
0xb3: {  	[dreg:$0x5] =	wrdreg s4  }
0xb4: {  	[dreg:$0x6] =	wrdreg $0x9  }
0xb5: {  	_ =	task.clear_ibuf [dreg:s9], $0x7FFFF;
	_ =	strace $0x90000046  }
0xb6: {  	s29 =	simm.s32 $0x9;
	_ =	strace $0x80000048  }
0xb7: {  	_ =	swait.ge [sflag:s29], $0x1  }
0xb8: {  	[sflag:s29] =	ssyncadd.s32 $0xFFFFFFFF  }
0xb9: {  	_ =	strace $0x90000048  }
0xba: {  	_ =	sfence  }
0xbb: {  	s30 =	sld [smem:$0x0];
	_ =	sdelay $0x2  }
0xbc: {  	s31 =	sshll.u32 s1, $0xD;
	s1 =	sshrl.u32 s1, $0x2  }
0xbd: {  	s3 =	sand.u32 $0x4000, s31;
	s1 =	sadd.s32 s1, s30  }
0xbe: {  	s0 =	sor.u32 s3, s0;
	s1 =	sshll.u32 s1, $0x11  }
0xbf: {  	s0 =	sor.u32 s1, s0  }
0xc0: {  	s0 =	sadd.s32 $0x8F2B, s0  }
0xc1: {  	[sflag:s0] =	ssyncadd.remote.s32 $0x1  }
0xc2: {  	_ =	sfence.sel $0xFFFF  }
0xc3: {  	[dreg:$0x0] =	wrdreg $0xFFFFFFFF;
	(pc) =	sbr.abs _section_cstart, $3  }
0xc4: {  	[dreg:$0x1] =	wrdreg $0xFFFFFFFF  }
0xc5: {  	_ =	task.clear_ibuf [dreg:s9], $0x2FFFF;
	_ =	strace $0x9FFFFFFF  }
0xc6: {  	(tm) =	ssettm $0x7FFFFFFF  }
0xc7: {  	_ =	shalt  }
tec
execute0_lowered:
.L_overlay_start_1:
0x0: {  	(tag) =	ssettag $0x1  }
0x1: {  	s3 =	rddreg [dreg:$0x0]  }
0x2: {  	s4 =	rddreg [dreg:$0x1]  }
0x3: {  	s0 =	srdreg.scid;
	s1 =	rddreg [dreg:$0x2]  }
0x4: {  	s22 =	stileid.u32;
	s5 =	rddreg [dreg:$0x3]  }
0x5: {  	s2 =	simm.s32 $0x0;
	s30 =	simm.s32 $0x9;
	s29 =	simm.s32 $0x200  }
0x6: {  	s17 =	simm.s32 $0x80;
	s11 =	simm.s32 $0x400;
	s12 =	simm.s32 $0x8400  }
0x7: {  	s10 =	simm.s32 $0xC400;
	s20 =	simm.s32 $0x1;
	s18 =	simm.s32 $0x3  }
0x8: {  	s28 =	simm.s32 $0x5;
	s31 =	simm.s32 $0x300;
	p0 =	por $0x0, $0x0  }
0x9: {  	s19 =	simm.s32 $0x4;
	s16 =	simm.s32 $0x6;
	s13 =	simm.s32 $0x8  }
0xa: {  	s0 =	sand.u32 $0x1, s0;
	s6 =	sshll.u32 s22, $0xA;
	[smem:$0x7FF] =	sst s2  }
0xb: {  	s9 =	sadd.s32 $0x2200, s1;
	s7 =	sshll.u32 s0, $0x9;
	s0 =	ssub.s32 $0x2, s0  }
0xc: {  	_ =	strace $0x80000047;
	s6 =	sor.u32 s7, s6;
	s23 =	sshrl.u32 s0, $0x1  }
0xd: {  	s7 =	sshrl.u32 s6, $0x3;
	s6 =	sshll.u32 s6, $0x4;
	s0 =	ssub.s32 s0, s23  }
0xe: {  	s23 =	simm.s32 $0x180;
	s8 =	sadd.s32 s7, s1;
	s1 =	sadd.s32 $0x42200, s1  }
0xf: {  	s5 =	sadd.s32 s5, s7;
	s21 =	sadd.s32 s9, s6;
	s25 =	sor.u32 $0x800, s6  }
0x10: {  	s26 =	sor.u32 $0x1000, s6;
	s0 =	smax.u32 s0, $0x1;
	[dreg:$0x6] =	wrdreg s5  }
0x11: {  	s8 =	sadd.s32 $0x1A00, s8;
	[dreg:$0x7] =	wrdreg s21;
	s24 =	sadd.s32 s1, s6  }
0x12: {  	s14 =	sadd.s32 s9, s25;
	s15 =	sadd.s32 s1, s25;
	p1 =	sne.s32 s0, $0x1  }
.Ltmp0:
0x13: {  	s7 =	sadd.s32 s9, s26;
	s6 =	sor.u32 $0x1800, s6;
	(pc) =	sbr.rel @!p1 .LBB2_1-.Ltmp0, $4  }
0x14: {  	s21 =	simm.s32 $0x2;
	s25 =	simm.s32 $0x380;
	[dreg:$0x5] =	wrdreg s8  }
0x15: {  	[dreg:$0x8] =	wrdreg s24;
	s8 =	sadd.s32 s1, s26;
	s5 =	sadd.s32 s9, s6  }
0x16: {  	s6 =	sadd.s32 s1, s6;
	s9 =	simm.s32 $0x4400;
	s1 =	simm.s32 $0x280  }
0x17: {  	s24 =	simm.s32 $0x7;
	s26 =	sadd.s32 $0xFFFFFFFF, s0;
	s0 =	rddreg [dreg:$0x5]  }
0x18: {  	[tilespmem:s2], [sflag:$0x9] =	stream.linear.gather [hbm4b:s0+s2], $0x200, $0x38;
	[tilespmem:$0x10400] =	vst v63  }
0x19: {  	_ =	swait.ge [sflag:s30], $0x200  }
0x1a: {  	[sflag:s30] =	ssyncset.done $0x0  }
0x1b: {  	s22 =	rddreg [dreg:$0x6];
	[sflag:s30] =	ssyncadd.s32 $0xFFFFFE00  }
0x1c: {  	[tilespmem:s29], [sflag:$0x9] =	stream.linear.gather [hbm4b:s22+s2], $0x200, $0x38;
	[tilespmem:$0x10400] =	vst v63  }
0x1d: {  	_ =	swait.ge [sflag:s30], $0x200  }
0x1e: {  	[sflag:s30] =	ssyncset.done $0x0  }
0x1f: {  	[sflag:s30] =	ssyncadd.s32 $0xFFFFFE00  }
0x20: {  	[tilespmem:s11], [sflag:$0x1] =	stream.indirect.gather [hbm4b:s3+s17], $0x80, s2, s17, $0xb8;
	[tilespmem:$0x10400] =	vst v63  }
0x21: {  	_ = 	snop  }
0x22: {  	[tilespmem:s12], [sflag:$0x3] =	stream.indirect.gather [hbm4b:s4+s17], $0x80, s29, s17, $0xb8;
	[tilespmem:$0x10400] =	vst v63  }
0x23: {  	_ = 	snop  }
0x24: {  	[tilespmem:s9], [sflag:$0x2] =	stream.indirect.gather [hbm4b:s3+s17], $0x80, s17, s17, $0xb8;
	[tilespmem:$0x10400] =	vst v63  }
0x25: {  	_ = 	snop  }
0x26: {  	[tilespmem:s10], [sflag:$0x4] =	stream.indirect.gather [hbm4b:s4+s17], $0x80, s1, s17, $0xb8;
	[tilespmem:$0x10400] =	vst v63  }
0x27: {  	_ =	swait.ge [sflag:s20], $0x4000  }
0x28: {  	[sflag:s20] =	ssyncset.done $0x0  }
0x29: {  	[sflag:s20] =	ssyncadd.s32 $0xFFFFC000  }
0x2a: {  	_ =	swait.ge [sflag:s18], $0x4000  }
0x2b: {  	[sflag:s18] =	ssyncset.done $0x0  }
0x2c: {  	s0 =	rddreg [dreg:$0x7];
	[sflag:s18] =	ssyncadd.s32 $0xFFFFC000  }
0x2d: {  	[hbm4b:s0+s2] =	stream.linear.scatter [tilespmem:s11], [sflag:$0x5], $0x4000, $0x38;
	[tilespmem:$0x10400] =	vst v63  }
0x2e: {  	s1 =	rddreg [dreg:$0x8]  }
0x2f: {  	[hbm4b:s1+s2] =	stream.linear.scatter [tilespmem:s12], [sflag:$0x7], $0x4000, $0x38;
	[tilespmem:$0x10400] =	vst v63  }
0x30: {  	_ =	swait.ge [sflag:s28], $0x4000  }
0x31: {  	[sflag:s28] =	ssyncset.done $0x0  }
0x32: {  	[sflag:s28] =	ssyncadd.s32 $0xFFFFC000  }
0x33: {  	_ =	swait.ge [sflag:s24], $0x4000  }
0x34: {  	[sflag:s24] =	ssyncset.done $0x0  }
0x35: {  	s1 =	simm.s32 $0x100;
	[sflag:s24] =	ssyncadd.s32 $0xFFFFC000  }
0x36: {  	[tilespmem:s11], [sflag:$0x1] =	stream.indirect.gather [hbm4b:s3+s17], $0x80, s1, s17, $0xb8;
	[tilespmem:$0x10400] =	vst v63  }
0x37: {  	_ = 	snop  }
0x38: {  	[tilespmem:s12], [sflag:$0x3] =	stream.indirect.gather [hbm4b:s4+s17], $0x80, s31, s17, $0xb8;
	[tilespmem:$0x10400] =	vst v63  }
0x39: {  	_ =	swait.ge [sflag:s21], $0x4000  }
0x3a: {  	[sflag:s21] =	ssyncset.done $0x0  }
0x3b: {  	[sflag:s21] =	ssyncadd.s32 $0xFFFFC000  }
0x3c: {  	_ =	swait.ge [sflag:s19], $0x4000  }
0x3d: {  	[sflag:s19] =	ssyncset.done $0x0  }
0x3e: {  	[sflag:s19] =	ssyncadd.s32 $0xFFFFC000  }
0x3f: {  	[hbm4b:s14+s2] =	stream.linear.scatter [tilespmem:s9], [sflag:$0x6], $0x4000, $0x38;
	[tilespmem:$0x10400] =	vst v63  }
0x40: {  	_ = 	snop  }
0x41: {  	[hbm4b:s15+s2] =	stream.linear.scatter [tilespmem:s10], [sflag:$0x8], $0x4000, $0x38;
	[tilespmem:$0x10400] =	vst v63  }
0x42: {  	_ =	swait.ge [sflag:s16], $0x4000  }
0x43: {  	[sflag:s16] =	ssyncset.done $0x0  }
0x44: {  	[sflag:s16] =	ssyncadd.s32 $0xFFFFC000  }
0x45: {  	_ =	swait.ge [sflag:s13], $0x4000  }
0x46: {  	[sflag:s13] =	ssyncset.done $0x0  }
0x47: {  	[sflag:s13] =	ssyncadd.s32 $0xFFFFC000  }
0x48: {  	[tilespmem:s9], [sflag:$0x2] =	stream.indirect.gather [hbm4b:s3+s17], $0x80, s23, s17, $0xb8;
	[tilespmem:$0x10400] =	vst v63  }
0x49: {  	_ = 	snop  }
0x4a: {  	[tilespmem:s10], [sflag:$0x4] =	stream.indirect.gather [hbm4b:s4+s17], $0x80, s25, s17, $0xb8;
	[tilespmem:$0x10400] =	vst v63  }
0x4b: {  	_ =	swait.ge [sflag:s20], $0x4000  }
0x4c: {  	[sflag:s20] =	ssyncset.done $0x0  }
0x4d: {  	[sflag:s20] =	ssyncadd.s32 $0xFFFFC000  }
0x4e: {  	_ =	swait.ge [sflag:s18], $0x4000  }
0x4f: {  	[sflag:s18] =	ssyncset.done $0x0  }
0x50: {  	[sflag:s18] =	ssyncadd.s32 $0xFFFFC000  }
0x51: {  	[hbm4b:s7+s2] =	stream.linear.scatter [tilespmem:s11], [sflag:$0x5], $0x4000, $0x38;
	[tilespmem:$0x10400] =	vst v63  }
0x52: {  	_ = 	snop  }
0x53: {  	[hbm4b:s8+s2] =	stream.linear.scatter [tilespmem:s12], [sflag:$0x7], $0x4000, $0x38;
	[tilespmem:$0x10400] =	vst v63  }
0x54: {  	_ =	swait.ge [sflag:s21], $0x4000  }
0x55: {  	[sflag:s21] =	ssyncset.done $0x0  }
0x56: {  	[sflag:s21] =	ssyncadd.s32 $0xFFFFC000  }
0x57: {  	_ =	swait.ge [sflag:s19], $0x4000  }
0x58: {  	[sflag:s19] =	ssyncset.done $0x0  }
0x59: {  	s22 =	smov.u32 s26;
	[sflag:s19] =	ssyncadd.s32 $0xFFFFC000  }
0x5a: {  	[hbm4b:s5+s2] =	stream.linear.scatter [tilespmem:s9], [sflag:$0x6], $0x4000, $0x38;
	[tilespmem:$0x10400] =	vst v63  }
0x5b: {  	p1 =	sne.s32 s22, $0x1  }
0x5c: {  	[hbm4b:s6+s2] =	stream.linear.scatter [tilespmem:s10], [sflag:$0x8], $0x4000, $0x38;
	[tilespmem:$0x10400] =	vst v63  }
.Ltmp1:
0x5d: {  	_ =	swait.ge [sflag:s16], $0x4000;
	(pc) =	sbr.rel @!p1 .LBB2_3-.Ltmp1, $4  }
0x5e: {  	[sflag:s16] =	ssyncset.done $0x0  }
0x5f: {  	[sflag:s16] =	ssyncadd.s32 $0xFFFFC000  }
0x60: {  	p0 =	por $0x1, $0x1;
	s26 =	simm.s32 $0x280;
	_ =	swait.ge [sflag:s13], $0x4000  }
0x61: {  	s1 =	sadd.s32 $0xFFFFFFFF, s22;
	s0 =	rddreg [dreg:$0x5];
	[sflag:s13] =	ssyncset.done $0x0  }
.LBB2_4:
0x62: {  	[sflag:s13] =	ssyncadd.s32 $0xFFFFC000  }
0x63: {  	[tilespmem:s2], [sflag:$0x9] =	stream.linear.gather [hbm4b:s0+s2], $0x200, $0x38;
	[tilespmem:$0x10400] =	vst v63  }
0x64: {  	_ =	swait.ge [sflag:s30], $0x200  }
0x65: {  	[sflag:s30] =	ssyncset.done $0x0  }
0x66: {  	s22 =	rddreg [dreg:$0x6];
	[sflag:s30] =	ssyncadd.s32 $0xFFFFFE00  }
0x67: {  	[tilespmem:s29], [sflag:$0x9] =	stream.linear.gather [hbm4b:s22+s2], $0x200, $0x38;
	[tilespmem:$0x10400] =	vst v63  }
0x68: {  	_ =	swait.ge [sflag:s30], $0x200  }
0x69: {  	[sflag:s30] =	ssyncset.done $0x0  }
0x6a: {  	[sflag:s30] =	ssyncadd.s32 $0xFFFFFE00  }
0x6b: {  	[tilespmem:s11], [sflag:$0x1] =	stream.indirect.gather [hbm4b:s3+s17], $0x80, s2, s17, $0xb8;
	[tilespmem:$0x10400] =	vst v63  }
0x6c: {  	_ = 	snop  }
0x6d: {  	[tilespmem:s12], [sflag:$0x3] =	stream.indirect.gather [hbm4b:s4+s17], $0x80, s29, s17, $0xb8;
	[tilespmem:$0x10400] =	vst v63  }
0x6e: {  	_ = 	snop  }
0x6f: {  	[tilespmem:s9], [sflag:$0x2] =	stream.indirect.gather [hbm4b:s3+s17], $0x80, s17, s17, $0xb8;
	[tilespmem:$0x10400] =	vst v63  }
0x70: {  	_ = 	snop  }
0x71: {  	[tilespmem:s10], [sflag:$0x4] =	stream.indirect.gather [hbm4b:s4+s17], $0x80, s26, s17, $0xb8;
	[tilespmem:$0x10400] =	vst v63  }
0x72: {  	_ =	swait.ge [sflag:s20], $0x4000  }
0x73: {  	[sflag:s20] =	ssyncset.done $0x0  }
0x74: {  	[sflag:s20] =	ssyncadd.s32 $0xFFFFC000  }
0x75: {  	_ =	swait.ge [sflag:s18], $0x4000  }
0x76: {  	[sflag:s18] =	ssyncset.done $0x0  }
0x77: {  	s0 =	rddreg [dreg:$0x7];
	[sflag:s18] =	ssyncadd.s32 $0xFFFFC000  }
0x78: {  	[hbm4b:s0+s2] =	stream.linear.scatter [tilespmem:s11], [sflag:$0x5], $0x4000, $0x38;
	[tilespmem:$0x10400] =	vst v63  }
0x79: {  	s22 =	rddreg [dreg:$0x8]  }
0x7a: {  	[hbm4b:s22+s2] =	stream.linear.scatter [tilespmem:s12], [sflag:$0x7], $0x4000, $0x38;
	[tilespmem:$0x10400] =	vst v63  }
0x7b: {  	_ =	swait.ge [sflag:s28], $0x4000  }
0x7c: {  	[sflag:s28] =	ssyncset.done $0x0  }
0x7d: {  	[sflag:s28] =	ssyncadd.s32 $0xFFFFC000  }
0x7e: {  	_ =	swait.ge [sflag:s24], $0x4000  }
0x7f: {  	[sflag:s24] =	ssyncset.done $0x0  }
0x80: {  	s22 =	simm.s32 $0x100;
	[sflag:s24] =	ssyncadd.s32 $0xFFFFC000  }
0x81: {  	[tilespmem:s11], [sflag:$0x1] =	stream.indirect.gather [hbm4b:s3+s17], $0x80, s22, s17, $0xb8;
	[tilespmem:$0x10400] =	vst v63  }
0x82: {  	_ = 	snop  }
0x83: {  	[tilespmem:s12], [sflag:$0x3] =	stream.indirect.gather [hbm4b:s4+s17], $0x80, s31, s17, $0xb8;
	[tilespmem:$0x10400] =	vst v63  }
0x84: {  	_ =	swait.ge [sflag:s21], $0x4000  }
0x85: {  	[sflag:s21] =	ssyncset.done $0x0  }
0x86: {  	[sflag:s21] =	ssyncadd.s32 $0xFFFFC000  }
0x87: {  	_ =	swait.ge [sflag:s19], $0x4000  }
0x88: {  	[sflag:s19] =	ssyncset.done $0x0  }
0x89: {  	[sflag:s19] =	ssyncadd.s32 $0xFFFFC000  }
0x8a: {  	[hbm4b:s14+s2] =	stream.linear.scatter [tilespmem:s9], [sflag:$0x6], $0x4000, $0x38;
	[tilespmem:$0x10400] =	vst v63  }
0x8b: {  	_ = 	snop  }
0x8c: {  	[hbm4b:s15+s2] =	stream.linear.scatter [tilespmem:s10], [sflag:$0x8], $0x4000, $0x38;
	[tilespmem:$0x10400] =	vst v63  }
0x8d: {  	_ =	swait.ge [sflag:s16], $0x4000  }
0x8e: {  	[sflag:s16] =	ssyncset.done $0x0  }
0x8f: {  	[sflag:s16] =	ssyncadd.s32 $0xFFFFC000  }
0x90: {  	_ =	swait.ge [sflag:s13], $0x4000  }
0x91: {  	[sflag:s13] =	ssyncset.done $0x0  }
0x92: {  	[sflag:s13] =	ssyncadd.s32 $0xFFFFC000  }
0x93: {  	[tilespmem:s9], [sflag:$0x2] =	stream.indirect.gather [hbm4b:s3+s17], $0x80, s23, s17, $0xb8;
	[tilespmem:$0x10400] =	vst v63  }
0x94: {  	_ = 	snop  }
0x95: {  	[tilespmem:s10], [sflag:$0x4] =	stream.indirect.gather [hbm4b:s4+s17], $0x80, s25, s17, $0xb8;
	[tilespmem:$0x10400] =	vst v63  }
0x96: {  	_ =	swait.ge [sflag:s20], $0x4000  }
0x97: {  	[sflag:s20] =	ssyncset.done $0x0  }
0x98: {  	[sflag:s20] =	ssyncadd.s32 $0xFFFFC000  }
0x99: {  	_ =	swait.ge [sflag:s18], $0x4000  }
0x9a: {  	[sflag:s18] =	ssyncset.done $0x0  }
0x9b: {  	[sflag:s18] =	ssyncadd.s32 $0xFFFFC000  }
0x9c: {  	[hbm4b:s7+s2] =	stream.linear.scatter [tilespmem:s11], [sflag:$0x5], $0x4000, $0x38;
	[tilespmem:$0x10400] =	vst v63  }
0x9d: {  	_ = 	snop  }
0x9e: {  	[hbm4b:s8+s2] =	stream.linear.scatter [tilespmem:s12], [sflag:$0x7], $0x4000, $0x38;
	[tilespmem:$0x10400] =	vst v63  }
0x9f: {  	_ =	swait.ge [sflag:s21], $0x4000  }
0xa0: {  	[sflag:s21] =	ssyncset.done $0x0  }
0xa1: {  	[sflag:s21] =	ssyncadd.s32 $0xFFFFC000  }
0xa2: {  	_ =	swait.ge [sflag:s19], $0x4000  }
0xa3: {  	[sflag:s19] =	ssyncset.done $0x0  }
0xa4: {  	[sflag:s19] =	ssyncadd.s32 $0xFFFFC000  }
0xa5: {  	[hbm4b:s5+s2] =	stream.linear.scatter [tilespmem:s9], [sflag:$0x6], $0x4000, $0x38;
	[tilespmem:$0x10400] =	vst v63  }
0xa6: {  	p1 =	sne.s32 s1, $0x1  }
0xa7: {  	[hbm4b:s6+s2] =	stream.linear.scatter [tilespmem:s10], [sflag:$0x8], $0x4000, $0x38;
	[tilespmem:$0x10400] =	vst v63  }
.Ltmp2:
0xa8: {  	_ =	swait.ge [sflag:s16], $0x4000;
	(pc) =	sbr.rel @p1 .LBB2_4-.Ltmp2, $4  }
0xa9: {  	[sflag:s16] =	ssyncset.done $0x0  }
0xaa: {  	[sflag:s16] =	ssyncadd.s32 $0xFFFFC000  }
0xab: {  	_ =	swait.ge [sflag:s13], $0x4000  }
0xac: {  	s1 =	sadd.s32 $0xFFFFFFFF, s1;
	s0 =	rddreg [dreg:$0x5];
	[sflag:s13] =	ssyncset.done $0x0  }
0xad: {  	s31 =	simm.s32 $0x300;
	s26 =	simm.s32 $0x100;
	s25 =	simm.s32 $0x380  }
0xae: {  	s23 =	simm.s32 $0x180;
	s22 =	stileid.u32;
	s1 =	simm.s32 $0x280  }
.LBB2_6:
0xaf: {  	[sflag:s13] =	ssyncadd.s32 @p0 $0xFFFFC000  }
0xb0: {  	[tilespmem:s2], [sflag:$0x9] =	stream.linear.gather [hbm4b:s0+s2], $0x200, $0x38;
	[tilespmem:$0x10400] =	vst v63  }
0xb1: {  	_ =	swait.ge [sflag:s30], $0x200  }
0xb2: {  	[sflag:s30] =	ssyncset.done $0x0  }
0xb3: {  	s0 =	rddreg [dreg:$0x6];
	[sflag:s30] =	ssyncadd.s32 $0xFFFFFE00  }
0xb4: {  	[tilespmem:s29], [sflag:$0x9] =	stream.linear.gather [hbm4b:s0+s2], $0x200, $0x38;
	[tilespmem:$0x10400] =	vst v63  }
0xb5: {  	_ =	swait.ge [sflag:s30], $0x200  }
0xb6: {  	[sflag:s30] =	ssyncset.done $0x0  }
0xb7: {  	[sflag:s30] =	ssyncadd.s32 $0xFFFFFE00  }
0xb8: {  	[tilespmem:s11], [sflag:$0x1] =	stream.indirect.gather [hbm4b:s3+s17], $0x80, s2, s17, $0xb8;
	[tilespmem:$0x10400] =	vst v63  }
0xb9: {  	_ = 	snop  }
0xba: {  	[tilespmem:s12], [sflag:$0x3] =	stream.indirect.gather [hbm4b:s4+s17], $0x80, s29, s17, $0xb8;
	[tilespmem:$0x10400] =	vst v63  }
0xbb: {  	_ = 	snop  }
0xbc: {  	[tilespmem:s9], [sflag:$0x2] =	stream.indirect.gather [hbm4b:s3+s17], $0x80, s17, s17, $0xb8;
	[tilespmem:$0x10400] =	vst v63  }
0xbd: {  	_ = 	snop  }
0xbe: {  	[tilespmem:s10], [sflag:$0x4] =	stream.indirect.gather [hbm4b:s4+s17], $0x80, s1, s17, $0xb8;
	[tilespmem:$0x10400] =	vst v63  }
0xbf: {  	_ =	swait.ge [sflag:s20], $0x4000  }
0xc0: {  	[sflag:s20] =	ssyncset.done $0x0  }
0xc1: {  	[sflag:s20] =	ssyncadd.s32 $0xFFFFC000  }
0xc2: {  	_ =	swait.ge [sflag:s18], $0x4000  }
0xc3: {  	[sflag:s18] =	ssyncset.done $0x0  }
0xc4: {  	s29 =	rddreg [dreg:$0x7];
	[sflag:s18] =	ssyncadd.s32 $0xFFFFC000  }
0xc5: {  	[hbm4b:s29+s2] =	stream.linear.scatter [tilespmem:s11], [sflag:$0x5], $0x4000, $0x38;
	[tilespmem:$0x10400] =	vst v63  }
0xc6: {  	s30 =	rddreg [dreg:$0x8]  }
0xc7: {  	[hbm4b:s30+s2] =	stream.linear.scatter [tilespmem:s12], [sflag:$0x7], $0x4000, $0x38;
	[tilespmem:$0x10400] =	vst v63  }
0xc8: {  	_ =	swait.ge [sflag:s28], $0x4000  }
0xc9: {  	[sflag:s28] =	ssyncset.done $0x0  }
0xca: {  	[sflag:s28] =	ssyncadd.s32 $0xFFFFC000  }
0xcb: {  	_ =	swait.ge [sflag:s24], $0x4000  }
0xcc: {  	[sflag:s24] =	ssyncset.done $0x0  }
0xcd: {  	[sflag:s24] =	ssyncadd.s32 $0xFFFFC000  }
0xce: {  	[tilespmem:s11], [sflag:$0x1] =	stream.indirect.gather [hbm4b:s3+s17], $0x80, s26, s17, $0xb8;
	[tilespmem:$0x10400] =	vst v63  }
0xcf: {  	_ = 	snop  }
0xd0: {  	[tilespmem:s12], [sflag:$0x3] =	stream.indirect.gather [hbm4b:s4+s17], $0x80, s31, s17, $0xb8;
	[tilespmem:$0x10400] =	vst v63  }
0xd1: {  	_ =	swait.ge [sflag:s21], $0x4000  }
0xd2: {  	[sflag:s21] =	ssyncset.done $0x0  }
0xd3: {  	[sflag:s21] =	ssyncadd.s32 $0xFFFFC000  }
0xd4: {  	_ =	swait.ge [sflag:s19], $0x4000  }
0xd5: {  	[sflag:s19] =	ssyncset.done $0x0  }
0xd6: {  	[sflag:s19] =	ssyncadd.s32 $0xFFFFC000  }
0xd7: {  	[hbm4b:s14+s2] =	stream.linear.scatter [tilespmem:s9], [sflag:$0x6], $0x4000, $0x38;
	[tilespmem:$0x10400] =	vst v63  }
0xd8: {  	_ = 	snop  }
0xd9: {  	[hbm4b:s15+s2] =	stream.linear.scatter [tilespmem:s10], [sflag:$0x8], $0x4000, $0x38;
	[tilespmem:$0x10400] =	vst v63  }
0xda: {  	_ =	swait.ge [sflag:s16], $0x4000  }
0xdb: {  	[sflag:s16] =	ssyncset.done $0x0  }
0xdc: {  	[sflag:s16] =	ssyncadd.s32 $0xFFFFC000  }
0xdd: {  	_ =	swait.ge [sflag:s13], $0x4000  }
0xde: {  	[sflag:s13] =	ssyncset.done $0x0  }
0xdf: {  	[sflag:s13] =	ssyncadd.s32 $0xFFFFC000  }
0xe0: {  	[tilespmem:s9], [sflag:$0x2] =	stream.indirect.gather [hbm4b:s3+s17], $0x80, s23, s17, $0xb8;
	[tilespmem:$0x10400] =	vst v63  }
0xe1: {  	_ = 	snop  }
0xe2: {  	[tilespmem:s10], [sflag:$0x4] =	stream.indirect.gather [hbm4b:s4+s17], $0x80, s25, s17, $0xb8;
	[tilespmem:$0x10400] =	vst v63  }
0xe3: {  	_ =	swait.ge [sflag:s20], $0x4000  }
0xe4: {  	[sflag:s20] =	ssyncset.done $0x0  }
0xe5: {  	[sflag:s20] =	ssyncadd.s32 $0xFFFFC000  }
0xe6: {  	_ =	swait.ge [sflag:s18], $0x4000  }
0xe7: {  	[sflag:s18] =	ssyncset.done $0x0  }
0xe8: {  	[sflag:s18] =	ssyncadd.s32 $0xFFFFC000  }
0xe9: {  	[hbm4b:s7+s2] =	stream.linear.scatter [tilespmem:s11], [sflag:$0x5], $0x4000, $0x38;
	[tilespmem:$0x10400] =	vst v63  }
0xea: {  	_ = 	snop  }
0xeb: {  	[hbm4b:s8+s2] =	stream.linear.scatter [tilespmem:s12], [sflag:$0x7], $0x4000, $0x38;
	[tilespmem:$0x10400] =	vst v63  }
0xec: {  	_ =	swait.ge [sflag:s21], $0x4000  }
0xed: {  	[sflag:s21] =	ssyncset.done $0x0  }
0xee: {  	[sflag:s21] =	ssyncadd.s32 $0xFFFFC000  }
0xef: {  	_ =	swait.ge [sflag:s19], $0x4000  }
0xf0: {  	[sflag:s19] =	ssyncset.done $0x0  }
0xf1: {  	[sflag:s19] =	ssyncadd.s32 $0xFFFFC000  }
0xf2: {  	[hbm4b:s5+s2] =	stream.linear.scatter [tilespmem:s9], [sflag:$0x6], $0x4000, $0x38;
	[tilespmem:$0x10400] =	vst v63  }
0xf3: {  	_ = 	snop  }
0xf4: {  	[hbm4b:s6+s2] =	stream.linear.scatter [tilespmem:s10], [sflag:$0x8], $0x4000, $0x38;
	[tilespmem:$0x10400] =	vst v63  }
0xf5: {  	_ =	swait.ge [sflag:s16], $0x4000  }
0xf6: {  	[sflag:s16] =	ssyncset.done $0x0  }
0xf7: {  	[sflag:s16] =	ssyncadd.s32 $0xFFFFC000  }
0xf8: {  	_ =	swait.ge [sflag:s13], $0x4000  }
0xf9: {  	[sflag:s13] =	ssyncset.done $0x0  }
0xfa: {  	[sflag:s13] =	ssyncadd.s32 $0xFFFFC000  }
0xfb: {  	_ =	sfence.sel $0x180000  }
0xfc: {  	[bflag:$0x0] =	sbarrier.arrive $0xFFFF  }
0xfd: {  	_ =	strace $0x90000047  }
0xfe: {  	[bflag:$0x2] =	sbarrier.arrive $0xFFFF  }
0xff: {  	p0 =	sne.s32 s22, $0x0;
	s0 =	rddreg [dreg:$0x4]  }
0x100: {  	s0 =	sadd.s32 @!p0 $0x100000, s0  }
0x101: {  	[sflag:s0] =	ssyncadd.tile.s32 @!p0 $0x1;
	_ =	shalt  }
.LBB2_1:
.Ltmp3:
0x102: {  	(pc) =	sbr.rel .LBB2_6-.Ltmp3, $3  }
0x103: {  	_ =	sdelay $0x1  }
0x104: {  	s31 =	simm.s32 $0x300  }
0x105: {  	s26 =	simm.s32 $0x100;
	s25 =	simm.s32 $0x380;
	s23 =	simm.s32 $0x180  }
.LBB2_3:
.Ltmp4:
0x106: {  	(pc) =	sbr.rel .LBB2_6-.Ltmp4, $3  }
0x107: {  	_ =	sdelay $0x1  }
0x108: {  	s31 =	simm.s32 $0x300;
	s26 =	simm.s32 $0x100;
	s25 =	simm.s32 $0x380  }
0x109: {  	s23 =	simm.s32 $0x180;
	s22 =	stileid.u32;
	s1 =	simm.s32 $0x280  }
.Lfunc_end2:
_tile_overlayer_lowered:
.L_overlay_start_2:
0x10a: {  	(tag) =	ssettag $0x2  }
0x10b: {  	s0 =	rddreg [dreg:$0x0];
	s2 =	stileid.u32  }
0x10c: {  	s1 =	rddreg [dreg:$0x1];
	p0 =	sne.s32 s2, $0x0  }
0x10d: {  	s3 =	rddreg [dreg:$0x2];
	[bflag:$0x3] =	sbarrier.arrive $0xFFFF;
	s2 =	simm.s32 @!p0 $0x1C09  }
0x10e: {  	[timem:s3], [sflag:s2] =	dma.local @!p0 [hbm:s0], s1  }
0x10f: {  	s0 =	simm.s32 @!p0 $0x9  }
0x110: {  	_ =	swait.ge @!p0 [sflag:s0], s1  }
0x111: {  	s1 =	ssub.s32 @!p0 $0x0, s1;
	[sflag:s0] =	ssyncset.done @!p0 $0x0  }
0x112: {  	[sflag:s0] =	ssyncadd.s32 @!p0 s1  }
0x113: {  	[bflag:$0x3] =	sbarrier.arrive $0xFFFF  }
0x114: {  	_ =	shalt  }

</sc_bundles>
